<compile_context>
chip_gen: v7x
topology: tpu7x:2x2x1
jax: 0.10.2.dev20260603
libtpu: 0.0.44.dev20260713+nightly
codegen_flags: <defaults>
</compile_context>

<pallas_src>
import functools

import jax
import jax.numpy as jnp
from jax import lax
from jax.experimental import pallas as pl
from jax.experimental.pallas import tpu as pltpu
from jax.experimental.pallas import tpu_sc as plsc

N = 10000
E = 320000
F_IN = 128
HID = 64
CLS = 16

NC = 2
NS = 16
TILES = NC * NS
K = 128
EPT = ((E // TILES + K - 1) // K) * K
EPAD = EPT * TILES
NCHUNK = EPT // K
PADN = ((N + 1 + NS * 8 - 1) // (NS * 8)) * (NS * 8)
RPT = PADN // NS

ROWBLK = 2000


def _sc_scatter_add(d, gather):
    mesh = plsc.VectorSubcoreMesh(core_axis_name="c", subcore_axis_name="s")

    scratch = [
        pltpu.VMEM((K,), jnp.int32),
        pltpu.VMEM((K, d), jnp.float32),
        pltpu.VMEM((RPT, d), jnp.float32),
        pltpu.VMEM_SHARED((PADN, d), jnp.float32),
        pltpu.SemaphoreType.DMA,
    ]
    if gather:
        scratch.insert(0, pltpu.VMEM((K,), jnp.int32))

    @functools.partial(
        pl.kernel,
        mesh=mesh,
        out_type=jax.ShapeDtypeStruct((NC, PADN, d), jnp.float32),
        scratch_types=scratch,
        compiler_params=pltpu.CompilerParams(use_tc_tiling_on_sc=False),
    )
    def body(*refs):
        if gather:
            (g_hbm, src_hbm, dst_hbm, zeros_hbm, out_hbm,
             sidx, didx, rows, stage, acc, sem) = refs
        else:
            (ones_hbm, dst_hbm, zeros_hbm, out_hbm,
             didx, rows, stage, acc, sem) = refs
        c = lax.axis_index("c")
        s = lax.axis_index("s")
        wid = s * NC + c
        r0 = s * RPT
        pltpu.sync_copy(zeros_hbm, stage)
        pltpu.sync_copy(stage, acc.at[pl.ds(r0, RPT)])
        if not gather:
            pltpu.sync_copy(ones_hbm, rows)
        plsc.subcore_barrier()

        base = wid * EPT

        def step(g, carry):
            off = base + g * K
            pltpu.sync_copy(dst_hbm.at[pl.ds(off, K)], didx)
            if gather:
                pltpu.sync_copy(src_hbm.at[pl.ds(off, K)], sidx)
                pltpu.async_copy(g_hbm.at[sidx], rows, sem).wait()
            pltpu.sync_copy(rows, acc.at[didx], add=True)
            return carry

        lax.fori_loop(0, NCHUNK, step, 0)
        plsc.subcore_barrier()
        pltpu.sync_copy(acc.at[pl.ds(r0, RPT)], out_hbm.at[c, pl.ds(r0, RPT)])

    return body


_deg_kernel = _sc_scatter_add(16, gather=False)
_spmm_hid = _sc_scatter_add(HID, gather=True)
_spmm_cls = _sc_scatter_add(CLS, gather=True)


def _tc_pre(dp0, dp1, x, W1):
    def body(dp0_ref, dp1_ref, x_ref, w_ref, h_ref, g_ref, dis_ref):
        deg = dp0_ref[:, 0:1] + dp1_ref[:, 0:1]
        dis = lax.rsqrt(jnp.maximum(deg, 1.0))
        h = jnp.dot(x_ref[...], w_ref[...], preferred_element_type=jnp.float32)
        h_ref[...] = h
        g_ref[...] = h * dis
        dis_ref[...] = dis

    grid = N // ROWBLK
    return pl.pallas_call(
        body,
        grid=(grid,),
        in_specs=[
            pl.BlockSpec((ROWBLK, 16), lambda i: (i, 0)),
            pl.BlockSpec((ROWBLK, 16), lambda i: (i, 0)),
            pl.BlockSpec((ROWBLK, F_IN), lambda i: (i, 0)),
            pl.BlockSpec((F_IN, HID), lambda i: (0, 0)),
        ],
        out_specs=[
            pl.BlockSpec((ROWBLK, HID), lambda i: (i, 0)),
            pl.BlockSpec((ROWBLK, HID), lambda i: (i, 0)),
            pl.BlockSpec((ROWBLK, 1), lambda i: (i, 0)),
        ],
        out_shape=[
            jax.ShapeDtypeStruct((N, HID), jnp.float32),
            jax.ShapeDtypeStruct((N, HID), jnp.float32),
            jax.ShapeDtypeStruct((N, 1), jnp.float32),
        ],
    )(dp0, dp1, x, W1)


def _tc_mid(s1p0, s1p1, h1, dis, b1, W2):
    def body(p0_ref, p1_ref, h1_ref, dis_ref, b_ref, w_ref, h2_ref, g2_ref):
        dis = dis_ref[...]
        s1 = p0_ref[...] + p1_ref[...]
        out1 = dis * s1 + (dis * dis) * h1_ref[...] + b_ref[...]
        a = jnp.maximum(out1, 0.0)
        h2 = jnp.dot(a, w_ref[...], preferred_element_type=jnp.float32)
        h2_ref[...] = h2
        g2_ref[...] = h2 * dis

    grid = N // ROWBLK
    return pl.pallas_call(
        body,
        grid=(grid,),
        in_specs=[
            pl.BlockSpec((ROWBLK, HID), lambda i: (i, 0)),
            pl.BlockSpec((ROWBLK, HID), lambda i: (i, 0)),
            pl.BlockSpec((ROWBLK, HID), lambda i: (i, 0)),
            pl.BlockSpec((ROWBLK, 1), lambda i: (i, 0)),
            pl.BlockSpec((1, HID), lambda i: (0, 0)),
            pl.BlockSpec((HID, CLS), lambda i: (0, 0)),
        ],
        out_specs=[
            pl.BlockSpec((ROWBLK, CLS), lambda i: (i, 0)),
            pl.BlockSpec((ROWBLK, CLS), lambda i: (i, 0)),
        ],
        out_shape=[
            jax.ShapeDtypeStruct((N, CLS), jnp.float32),
            jax.ShapeDtypeStruct((N, CLS), jnp.float32),
        ],
    )(s1p0, s1p1, h1, dis, b1, W2)


def _tc_post(s2p0, s2p1, h2, dis, b2):
    def body(p0_ref, p1_ref, h2_ref, dis_ref, b_ref, o_ref):
        dis = dis_ref[...]
        s2 = p0_ref[...] + p1_ref[...]
        out2 = dis * s2 + (dis * dis) * h2_ref[...] + b_ref[...]
        m = jnp.max(out2, axis=1, keepdims=True)
        e = jnp.exp(out2 - m)
        lse = jnp.log(jnp.sum(e, axis=1, keepdims=True))
        o_ref[...] = out2 - m - lse

    grid = N // ROWBLK
    return pl.pallas_call(
        body,
        grid=(grid,),
        in_specs=[
            pl.BlockSpec((ROWBLK, CLS), lambda i: (i, 0)),
            pl.BlockSpec((ROWBLK, CLS), lambda i: (i, 0)),
            pl.BlockSpec((ROWBLK, CLS), lambda i: (i, 0)),
            pl.BlockSpec((ROWBLK, 1), lambda i: (i, 0)),
            pl.BlockSpec((1, CLS), lambda i: (0, 0)),
        ],
        out_specs=pl.BlockSpec((ROWBLK, CLS), lambda i: (i, 0)),
        out_shape=jax.ShapeDtypeStruct((N, CLS), jnp.float32),
    )(s2p0, s2p1, h2, dis, b2)


def kernel(x, edge_index, W1, b1, W2, b2):
    src = edge_index[0].astype(jnp.int32)
    dst = edge_index[1].astype(jnp.int32)
    npad = EPAD - E
    src_p = jnp.concatenate([src, jnp.zeros((npad,), jnp.int32)])
    dst_p = jnp.concatenate([dst, jnp.full((npad,), N, jnp.int32)])

    ones16 = jnp.ones((K, 16), jnp.float32)
    zeros16 = jnp.zeros((RPT, 16), jnp.float32)
    zeros64 = jnp.zeros((RPT, HID), jnp.float32)

    deg_p = _deg_kernel(ones16, dst_p, zeros16)
    h1, g1, dis = _tc_pre(deg_p[0, :N], deg_p[1, :N], x, W1)

    s1_p = _spmm_hid(g1, src_p, dst_p, zeros64)
    h2, g2 = _tc_mid(s1_p[0, :N], s1_p[1, :N], h1, dis,
                     b1.reshape(1, HID), W2)

    s2_p = _spmm_cls(g2, src_p, dst_p, zeros16)
    return _tc_post(s2_p[0, :N], s2_p[1, :N], h2, dis,
                    b2.reshape(1, CLS))

# --- scband reference (transcript-rebuilt; emitter-appended) ---
"""Pipeline reference for scband-net-orig-14783277432917 (READ-ONLY COPY).

The authoritative reference and input builder live on the scoring server;
editing this copy changes nothing except your own understanding.
"""

import jax, jax.numpy as jnp
import numpy as np

N = 10000
E = 320000
F_IN = 128
HIDDEN = 64
CLASSES = 16


def setup_inputs(seed: int = 0) -> dict:
    key = jax.random.key(seed)
    k1, k2, k3, k4 = jax.random.split(key, 4)
    x = jax.random.normal(k1, (N, F_IN), dtype=jnp.float32)
    edge_index = jax.random.randint(k2, (2, E), 0, N)
    W1 = jax.random.normal(k3, (F_IN, HIDDEN), dtype=jnp.float32) * (1.0 / np.sqrt(F_IN))
    b1 = jnp.zeros((HIDDEN,), dtype=jnp.float32)
    W2 = jax.random.normal(k4, (HIDDEN, CLASSES), dtype=jnp.float32) * (1.0 / np.sqrt(HIDDEN))
    b2 = jnp.zeros((CLASSES,), dtype=jnp.float32)
    return {"x": x, "edge_index": edge_index, "W1": W1, "b1": b1, "W2": W2, "b2": b2}


def _gcn_norm(edge_index):
    # add self loops and compute symmetric normalization (PyG GCNConv semantics)
    src, dst = edge_index[0], edge_index[1]
    loop = jnp.arange(N, dtype=src.dtype)
    src = jnp.concatenate([src, loop])
    dst = jnp.concatenate([dst, loop])
    ones = jnp.ones(src.shape[0], dtype=jnp.float32)
    deg = jax.ops.segment_sum(ones, dst, num_segments=N)
    dis = jax.lax.rsqrt(jnp.maximum(deg, 1.0))
    norm = dis[src] * dis[dst]
    return src, dst, norm


def _gcn_conv(x, W, b, src, dst, norm):
    h = x @ W
    msg = h[src] * norm[:, None]
    out = jax.ops.segment_sum(msg, dst, num_segments=N)
    return out + b


def reference(x, edge_index, W1, b1, W2, b2):
    src, dst, norm = _gcn_norm(edge_index)
    h = _gcn_conv(x, W1, b1, src, dst, norm)
    h = jax.nn.relu(h)
    # dropout is identity in eval mode (training=False)
    h = _gcn_conv(h, W2, b2, src, dst, norm)
    return jax.nn.log_softmax(h, axis=1)

if __name__ == "__main__":
    import jax
    _d = setup_inputs()
    print(jax.jit(kernel)(*tuple(_d.values())))

</pallas_src>

<mosaic_0001>
#map = affine_map<(d0, d1) -> (0, 0)>
#map1 = affine_map<(d0, d1) -> (0)>
#map2 = affine_map<(d0, d1) -> (0, 0, 0)>
module attributes {stable_mosaic.version = 14 : i64} {
  func.func @body(%arg0: i32, %arg1: i32, %arg2: memref<10000x16xf32, #tpu.memory_space<hbm>>, %arg3: memref<323584xi32, #tpu.memory_space<hbm>>, %arg4: memref<323584xi32, #tpu.memory_space<hbm>>, %arg5: memref<632x16xf32, #tpu.memory_space<hbm>>, %arg6: memref<2x10112x16xf32, #tpu.memory_space<hbm>>, %arg7: memref<128xi32, #tpu.memory_space<vmem>>, %arg8: memref<128xi32, #tpu.memory_space<vmem>>, %arg9: memref<128x16xf32, #tpu.memory_space<vmem>>, %arg10: memref<632x16xf32, #tpu.memory_space<vmem>>, %arg11: memref<10112x16xf32, #tpu.memory_space<vmem_shared>>, %arg12: memref<!tpu.dma_semaphore, #tpu.memory_space<semaphore_mem>>) attributes {dimension_semantics = [#tpu.dimension_semantics<core_parallel>, #tpu.dimension_semantics<subcore_parallel>], iteration_bounds = array<i64: 2, 16>, scalar_prefetch = 0 : i64, scratch_operands = 6 : i64, tpu.core_type = #tpu.core_type<sc_vector_subcore>, window_params = [{transform_indices = #map}, {transform_indices = #map1}, {transform_indices = #map1}, {transform_indices = #map}, {transform_indices = #map2}]} {
    %mul3A = arith.constant 2 : i32
    %mul3A_0 = arith.muli %arg1, %mul3A : i32
    %add3A = arith.addi %mul3A_0, %arg0 : i32
    %mul3A_1 = arith.constant 632 : i32
    %mul3A_2 = arith.muli %arg1, %mul3A_1 : i32
    "tpu.region"() ({
      %run_scoped3A = tpu.sem_alloc : memref<!tpu.dma_semaphore, #tpu.memory_space<semaphore_mem>>
      tpu.enqueue_dma source(%arg5 : memref<632x16xf32, #tpu.memory_space<hbm>>) target(%arg10 : memref<632x16xf32, #tpu.memory_space<vmem>>) target_semaphore(%run_scoped3A : memref<!tpu.dma_semaphore, #tpu.memory_space<semaphore_mem>>)
      tpu.wait_dma2 semaphore(%run_scoped3A : memref<!tpu.dma_semaphore, #tpu.memory_space<semaphore_mem>>) src(%arg5 : memref<632x16xf32, #tpu.memory_space<hbm>>) dst(%arg10 : memref<632x16xf32, #tpu.memory_space<vmem>>)
      tpu.yield
    }) : () -> ()
    "tpu.region"() ({
      %run_scoped3A = tpu.sem_alloc : memref<!tpu.dma_semaphore, #tpu.memory_space<semaphore_mem>>
      %dma_start3A = arith.constant 0 : i32
      %dma_start3A_11 = tpu.memref_slice %arg11[%mul3A_2, %dma_start3A] : memref<10112x16xf32, #tpu.memory_space<vmem_shared>> -> memref<632x16xf32, #tpu.memory_space<vmem_shared>>
      %dma_start3A_12 = arith.constant 0 : i32
      %dma_start3A_13 = tpu.memref_slice %arg11[%mul3A_2, %dma_start3A_12] : memref<10112x16xf32, #tpu.memory_space<vmem_shared>> -> memref<632x16xf32, #tpu.memory_space<vmem_shared>>
      tpu.enqueue_dma source(%arg10 : memref<632x16xf32, #tpu.memory_space<vmem>>) target(%dma_start3A_13 : memref<632x16xf32, #tpu.memory_space<vmem_shared>>) target_semaphore(%run_scoped3A : memref<!tpu.dma_semaphore, #tpu.memory_space<semaphore_mem>>)
      %dma_wait3A = arith.constant 0 : i32
      %dma_wait3A_14 = tpu.memref_slice %arg11[%mul3A_2, %dma_wait3A] : memref<10112x16xf32, #tpu.memory_space<vmem_shared>> -> memref<632x16xf32, #tpu.memory_space<vmem_shared>>
      %dma_wait3A_15 = arith.constant 0 : i32
      %dma_wait3A_16 = tpu.memref_slice %arg11[%mul3A_2, %dma_wait3A_15] : memref<10112x16xf32, #tpu.memory_space<vmem_shared>> -> memref<632x16xf32, #tpu.memory_space<vmem_shared>>
      tpu.wait_dma2 semaphore(%run_scoped3A : memref<!tpu.dma_semaphore, #tpu.memory_space<semaphore_mem>>) src(%arg10 : memref<632x16xf32, #tpu.memory_space<vmem>>) dst(%dma_wait3A_16 : memref<632x16xf32, #tpu.memory_space<vmem_shared>>)
      tpu.yield
    }) : () -> ()
    %barrier3A = arith.constant 0 : index
    tpu.barrier barrier_id(%barrier3A)
    %mul3A_3 = arith.constant 10112 : i32
    %mul3A_4 = arith.muli %add3A, %mul3A_3 : i32
    %scan3A = arith.constant 0 : i32
    %scan3A_5 = arith.constant 0 : i32
    %scan3A_6 = arith.constant 79 : i32
    %scan3A_7 = arith.addi %scan3A_5, %scan3A_6 : i32
    %scan3A_8 = arith.constant 1 : i32
    scf.for %scan3A_11 = %scan3A_5 to %scan3A_7 step %scan3A_8  : i32 {
      %mul3A_12 = arith.constant 128 : i32
      %mul3A_13 = arith.muli %scan3A_11, %mul3A_12 : i32
      %add3A_14 = arith.addi %mul3A_4, %mul3A_13 : i32
      "tpu.region"() ({
        %run_scoped3A = tpu.sem_alloc : memref<!tpu.dma_semaphore, #tpu.memory_space<semaphore_mem>>
        %dma_start3A_19 = tpu.memref_slice %arg4[%add3A_14] : memref<323584xi32, #tpu.memory_space<hbm>> -> memref<128xi32, #tpu.memory_space<hbm>>
        %dma_start3A_20 = tpu.memref_slice %arg4[%add3A_14] : memref<323584xi32, #tpu.memory_space<hbm>> -> memref<128xi32, #tpu.memory_space<hbm>>
        tpu.enqueue_dma source(%dma_start3A_20 : memref<128xi32, #tpu.memory_space<hbm>>) target(%arg8 : memref<128xi32, #tpu.memory_space<vmem>>) target_semaphore(%run_scoped3A : memref<!tpu.dma_semaphore, #tpu.memory_space<semaphore_mem>>)
        %dma_wait3A_21 = tpu.memref_slice %arg4[%add3A_14] : memref<323584xi32, #tpu.memory_space<hbm>> -> memref<128xi32, #tpu.memory_space<hbm>>
        %dma_wait3A_22 = tpu.memref_slice %arg4[%add3A_14] : memref<323584xi32, #tpu.memory_space<hbm>> -> memref<128xi32, #tpu.memory_space<hbm>>
        tpu.wait_dma2 semaphore(%run_scoped3A : memref<!tpu.dma_semaphore, #tpu.memory_space<semaphore_mem>>) src(%dma_wait3A_22 : memref<128xi32, #tpu.memory_space<hbm>>) dst(%arg8 : memref<128xi32, #tpu.memory_space<vmem>>)
        tpu.yield
      }) : () -> ()
      "tpu.region"() ({
        %run_scoped3A = tpu.sem_alloc : memref<!tpu.dma_semaphore, #tpu.memory_space<semaphore_mem>>
        %dma_start3A_19 = tpu.memref_slice %arg3[%add3A_14] : memref<323584xi32, #tpu.memory_space<hbm>> -> memref<128xi32, #tpu.memory_space<hbm>>
        %dma_start3A_20 = tpu.memref_slice %arg3[%add3A_14] : memref<323584xi32, #tpu.memory_space<hbm>> -> memref<128xi32, #tpu.memory_space<hbm>>
        tpu.enqueue_dma source(%dma_start3A_20 : memref<128xi32, #tpu.memory_space<hbm>>) target(%arg7 : memref<128xi32, #tpu.memory_space<vmem>>) target_semaphore(%run_scoped3A : memref<!tpu.dma_semaphore, #tpu.memory_space<semaphore_mem>>)
        %dma_wait3A_21 = tpu.memref_slice %arg3[%add3A_14] : memref<323584xi32, #tpu.memory_space<hbm>> -> memref<128xi32, #tpu.memory_space<hbm>>
        %dma_wait3A_22 = tpu.memref_slice %arg3[%add3A_14] : memref<323584xi32, #tpu.memory_space<hbm>> -> memref<128xi32, #tpu.memory_space<hbm>>
        tpu.wait_dma2 semaphore(%run_scoped3A : memref<!tpu.dma_semaphore, #tpu.memory_space<semaphore_mem>>) src(%dma_wait3A_22 : memref<128xi32, #tpu.memory_space<hbm>>) dst(%arg7 : memref<128xi32, #tpu.memory_space<vmem>>)
        tpu.yield
      }) : () -> ()
      %dma_start3A = arith.constant 0 : i32
      %dma_start3A_15 = arith.constant 0 : i32
      %dma_start3A_16 = tpu.memref_slice %arg2[%dma_start3A, %dma_start3A_15] : memref<10000x16xf32, #tpu.memory_space<hbm>> -> memref<10000x16xf32, #tpu.memory_space<hbm>>
      tpu.enqueue_indirect_dma source(%dma_start3A_16 : memref<10000x16xf32, #tpu.memory_space<hbm>>) target(%arg9 : memref<128x16xf32, #tpu.memory_space<vmem>>) offsets(%arg7 : memref<128xi32, #tpu.memory_space<vmem>>) semaphore(%arg12 : memref<!tpu.dma_semaphore, #tpu.memory_space<semaphore_mem>>)
      %dma_wait3A = arith.constant 0 : i32
      %dma_wait3A_17 = arith.constant 0 : i32
      %dma_wait3A_18 = tpu.memref_slice %arg2[%dma_wait3A, %dma_wait3A_17] : memref<10000x16xf32, #tpu.memory_space<hbm>> -> memref<10000x16xf32, #tpu.memory_space<hbm>>
      tpu.wait_indirect_dma semaphore(%arg12 : memref<!tpu.dma_semaphore, #tpu.memory_space<semaphore_mem>>) src(%dma_wait3A_18 : memref<10000x16xf32, #tpu.memory_space<hbm>>) dst(%arg9 : memref<128x16xf32, #tpu.memory_space<vmem>>)
      "tpu.region"() ({
        %run_scoped3A = tpu.sem_alloc : memref<!tpu.dma_semaphore, #tpu.memory_space<semaphore_mem>>
        %dma_start3A_19 = arith.constant 0 : i32
        %dma_start3A_20 = arith.constant 0 : i32
        %dma_start3A_21 = tpu.memref_slice %arg11[%dma_start3A_19, %dma_start3A_20] : memref<10112x16xf32, #tpu.memory_space<vmem_shared>> -> memref<10112x16xf32, #tpu.memory_space<vmem_shared>>
        tpu.enqueue_indirect_dma source(%arg9 : memref<128x16xf32, #tpu.memory_space<vmem>>) target(%dma_start3A_21 : memref<10112x16xf32, #tpu.memory_space<vmem_shared>>) offsets(%arg8 : memref<128xi32, #tpu.memory_space<vmem>>) semaphore(%run_scoped3A : memref<!tpu.dma_semaphore, #tpu.memory_space<semaphore_mem>>) {add = true}
        %dma_wait3A_22 = arith.constant 0 : i32
        %dma_wait3A_23 = arith.constant 0 : i32
        %dma_wait3A_24 = tpu.memref_slice %arg11[%dma_wait3A_22, %dma_wait3A_23] : memref<10112x16xf32, #tpu.memory_space<vmem_shared>> -> memref<10112x16xf32, #tpu.memory_space<vmem_shared>>
        tpu.wait_indirect_dma semaphore(%run_scoped3A : memref<!tpu.dma_semaphore, #tpu.memory_space<semaphore_mem>>) src(%arg9 : memref<128x16xf32, #tpu.memory_space<vmem>>) dst(%dma_wait3A_24 : memref<10112x16xf32, #tpu.memory_space<vmem_shared>>)
        tpu.yield
      }) : () -> ()
    }
    %scan3A_9 = arith.constant 79 : i32
    %barrier3A_10 = arith.constant 0 : index
    tpu.barrier barrier_id(%barrier3A_10)
    "tpu.region"() ({
      %run_scoped3A = tpu.sem_alloc : memref<!tpu.dma_semaphore, #tpu.memory_space<semaphore_mem>>
      %dma_start3A = arith.constant 0 : i32
      %dma_start3A_11 = tpu.memref_slice %arg6[%arg0, %mul3A_2, %dma_start3A] : memref<2x10112x16xf32, #tpu.memory_space<hbm>> -> memref<1x632x16xf32, #tpu.memory_space<hbm>>
      %dma_start3A_12 = tpu.memref_squeeze %dma_start3A_11 : memref<1x632x16xf32, #tpu.memory_space<hbm>> -> memref<632x16xf32, #tpu.memory_space<hbm>>
      %dma_start3A_13 = arith.constant 0 : i32
      %dma_start3A_14 = tpu.memref_slice %arg11[%mul3A_2, %dma_start3A_13] : memref<10112x16xf32, #tpu.memory_space<vmem_shared>> -> memref<632x16xf32, #tpu.memory_space<vmem_shared>>
      tpu.enqueue_dma source(%dma_start3A_14 : memref<632x16xf32, #tpu.memory_space<vmem_shared>>) target(%dma_start3A_12 : memref<632x16xf32, #tpu.memory_space<hbm>>) target_semaphore(%run_scoped3A : memref<!tpu.dma_semaphore, #tpu.memory_space<semaphore_mem>>)
      %dma_wait3A = arith.constant 0 : i32
      %dma_wait3A_15 = tpu.memref_slice %arg6[%arg0, %mul3A_2, %dma_wait3A] : memref<2x10112x16xf32, #tpu.memory_space<hbm>> -> memref<1x632x16xf32, #tpu.memory_space<hbm>>
      %dma_wait3A_16 = tpu.memref_squeeze %dma_wait3A_15 : memref<1x632x16xf32, #tpu.memory_space<hbm>> -> memref<632x16xf32, #tpu.memory_space<hbm>>
      %dma_wait3A_17 = arith.constant 0 : i32
      %dma_wait3A_18 = tpu.memref_slice %arg11[%mul3A_2, %dma_wait3A_17] : memref<10112x16xf32, #tpu.memory_space<vmem_shared>> -> memref<632x16xf32, #tpu.memory_space<vmem_shared>>
      tpu.wait_dma2 semaphore(%run_scoped3A : memref<!tpu.dma_semaphore, #tpu.memory_space<semaphore_mem>>) src(%dma_wait3A_18 : memref<632x16xf32, #tpu.memory_space<vmem_shared>>) dst(%dma_wait3A_16 : memref<632x16xf32, #tpu.memory_space<hbm>>)
      tpu.yield
    }) : () -> ()
    return
  }
}

#map = affine_map<(d0, d1) -> (0, 0)>
#map1 = affine_map<(d0, d1) -> (0)>
#map2 = affine_map<(d0, d1) -> (0, 0, 0)>
module attributes {stable_mosaic.version = 14 : i64} {
  func.func @body(%arg0: i32, %arg1: i32, %arg2: memref<128x16xf32, #tpu.memory_space<hbm>>, %arg3: memref<323584xi32, #tpu.memory_space<hbm>>, %arg4: memref<632x16xf32, #tpu.memory_space<hbm>>, %arg5: memref<2x10112x16xf32, #tpu.memory_space<hbm>>, %arg6: memref<128xi32, #tpu.memory_space<vmem>>, %arg7: memref<128x16xf32, #tpu.memory_space<vmem>>, %arg8: memref<632x16xf32, #tpu.memory_space<vmem>>, %arg9: memref<10112x16xf32, #tpu.memory_space<vmem_shared>>, %arg10: memref<!tpu.dma_semaphore, #tpu.memory_space<semaphore_mem>>) attributes {dimension_semantics = [#tpu.dimension_semantics<core_parallel>, #tpu.dimension_semantics<subcore_parallel>], iteration_bounds = array<i64: 2, 16>, scalar_prefetch = 0 : i64, scratch_operands = 5 : i64, tpu.core_type = #tpu.core_type<sc_vector_subcore>, window_params = [{transform_indices = #map}, {transform_indices = #map1}, {transform_indices = #map}, {transform_indices = #map2}]} {
    %mul3A = arith.constant 2 : i32
    %mul3A_0 = arith.muli %arg1, %mul3A : i32
    %add3A = arith.addi %mul3A_0, %arg0 : i32
    %mul3A_1 = arith.constant 632 : i32
    %mul3A_2 = arith.muli %arg1, %mul3A_1 : i32
    "tpu.region"() ({
      %run_scoped3A = tpu.sem_alloc : memref<!tpu.dma_semaphore, #tpu.memory_space<semaphore_mem>>
      tpu.enqueue_dma source(%arg4 : memref<632x16xf32, #tpu.memory_space<hbm>>) target(%arg8 : memref<632x16xf32, #tpu.memory_space<vmem>>) target_semaphore(%run_scoped3A : memref<!tpu.dma_semaphore, #tpu.memory_space<semaphore_mem>>)
      tpu.wait_dma2 semaphore(%run_scoped3A : memref<!tpu.dma_semaphore, #tpu.memory_space<semaphore_mem>>) src(%arg4 : memref<632x16xf32, #tpu.memory_space<hbm>>) dst(%arg8 : memref<632x16xf32, #tpu.memory_space<vmem>>)
      tpu.yield
    }) : () -> ()
    "tpu.region"() ({
      %run_scoped3A = tpu.sem_alloc : memref<!tpu.dma_semaphore, #tpu.memory_space<semaphore_mem>>
      %dma_start3A = arith.constant 0 : i32
      %dma_start3A_11 = tpu.memref_slice %arg9[%mul3A_2, %dma_start3A] : memref<10112x16xf32, #tpu.memory_space<vmem_shared>> -> memref<632x16xf32, #tpu.memory_space<vmem_shared>>
      %dma_start3A_12 = arith.constant 0 : i32
      %dma_start3A_13 = tpu.memref_slice %arg9[%mul3A_2, %dma_start3A_12] : memref<10112x16xf32, #tpu.memory_space<vmem_shared>> -> memref<632x16xf32, #tpu.memory_space<vmem_shared>>
      tpu.enqueue_dma source(%arg8 : memref<632x16xf32, #tpu.memory_space<vmem>>) target(%dma_start3A_13 : memref<632x16xf32, #tpu.memory_space<vmem_shared>>) target_semaphore(%run_scoped3A : memref<!tpu.dma_semaphore, #tpu.memory_space<semaphore_mem>>)
      %dma_wait3A = arith.constant 0 : i32
      %dma_wait3A_14 = tpu.memref_slice %arg9[%mul3A_2, %dma_wait3A] : memref<10112x16xf32, #tpu.memory_space<vmem_shared>> -> memref<632x16xf32, #tpu.memory_space<vmem_shared>>
      %dma_wait3A_15 = arith.constant 0 : i32
      %dma_wait3A_16 = tpu.memref_slice %arg9[%mul3A_2, %dma_wait3A_15] : memref<10112x16xf32, #tpu.memory_space<vmem_shared>> -> memref<632x16xf32, #tpu.memory_space<vmem_shared>>
      tpu.wait_dma2 semaphore(%run_scoped3A : memref<!tpu.dma_semaphore, #tpu.memory_space<semaphore_mem>>) src(%arg8 : memref<632x16xf32, #tpu.memory_space<vmem>>) dst(%dma_wait3A_16 : memref<632x16xf32, #tpu.memory_space<vmem_shared>>)
      tpu.yield
    }) : () -> ()
    "tpu.region"() ({
      %run_scoped3A = tpu.sem_alloc : memref<!tpu.dma_semaphore, #tpu.memory_space<semaphore_mem>>
      tpu.enqueue_dma source(%arg2 : memref<128x16xf32, #tpu.memory_space<hbm>>) target(%arg7 : memref<128x16xf32, #tpu.memory_space<vmem>>) target_semaphore(%run_scoped3A : memref<!tpu.dma_semaphore, #tpu.memory_space<semaphore_mem>>)
      tpu.wait_dma2 semaphore(%run_scoped3A : memref<!tpu.dma_semaphore, #tpu.memory_space<semaphore_mem>>) src(%arg2 : memref<128x16xf32, #tpu.memory_space<hbm>>) dst(%arg7 : memref<128x16xf32, #tpu.memory_space<vmem>>)
      tpu.yield
    }) : () -> ()
    %barrier3A = arith.constant 0 : index
    tpu.barrier barrier_id(%barrier3A)
    %mul3A_3 = arith.constant 10112 : i32
    %mul3A_4 = arith.muli %add3A, %mul3A_3 : i32
    %scan3A = arith.constant 0 : i32
    %scan3A_5 = arith.constant 0 : i32
    %scan3A_6 = arith.constant 79 : i32
    %scan3A_7 = arith.addi %scan3A_5, %scan3A_6 : i32
    %scan3A_8 = arith.constant 1 : i32
    scf.for %scan3A_11 = %scan3A_5 to %scan3A_7 step %scan3A_8  : i32 {
      %mul3A_12 = arith.constant 128 : i32
      %mul3A_13 = arith.muli %scan3A_11, %mul3A_12 : i32
      %add3A_14 = arith.addi %mul3A_4, %mul3A_13 : i32
      "tpu.region"() ({
        %run_scoped3A = tpu.sem_alloc : memref<!tpu.dma_semaphore, #tpu.memory_space<semaphore_mem>>
        %dma_start3A = tpu.memref_slice %arg3[%add3A_14] : memref<323584xi32, #tpu.memory_space<hbm>> -> memref<128xi32, #tpu.memory_space<hbm>>
        %dma_start3A_15 = tpu.memref_slice %arg3[%add3A_14] : memref<323584xi32, #tpu.memory_space<hbm>> -> memref<128xi32, #tpu.memory_space<hbm>>
        tpu.enqueue_dma source(%dma_start3A_15 : memref<128xi32, #tpu.memory_space<hbm>>) target(%arg6 : memref<128xi32, #tpu.memory_space<vmem>>) target_semaphore(%run_scoped3A : memref<!tpu.dma_semaphore, #tpu.memory_space<semaphore_mem>>)
        %dma_wait3A = tpu.memref_slice %arg3[%add3A_14] : memref<323584xi32, #tpu.memory_space<hbm>> -> memref<128xi32, #tpu.memory_space<hbm>>
        %dma_wait3A_16 = tpu.memref_slice %arg3[%add3A_14] : memref<323584xi32, #tpu.memory_space<hbm>> -> memref<128xi32, #tpu.memory_space<hbm>>
        tpu.wait_dma2 semaphore(%run_scoped3A : memref<!tpu.dma_semaphore, #tpu.memory_space<semaphore_mem>>) src(%dma_wait3A_16 : memref<128xi32, #tpu.memory_space<hbm>>) dst(%arg6 : memref<128xi32, #tpu.memory_space<vmem>>)
        tpu.yield
      }) : () -> ()
      "tpu.region"() ({
        %run_scoped3A = tpu.sem_alloc : memref<!tpu.dma_semaphore, #tpu.memory_space<semaphore_mem>>
        %dma_start3A = arith.constant 0 : i32
        %dma_start3A_15 = arith.constant 0 : i32
        %dma_start3A_16 = tpu.memref_slice %arg9[%dma_start3A, %dma_start3A_15] : memref<10112x16xf32, #tpu.memory_space<vmem_shared>> -> memref<10112x16xf32, #tpu.memory_space<vmem_shared>>
        tpu.enqueue_indirect_dma source(%arg7 : memref<128x16xf32, #tpu.memory_space<vmem>>) target(%dma_start3A_16 : memref<10112x16xf32, #tpu.memory_space<vmem_shared>>) offsets(%arg6 : memref<128xi32, #tpu.memory_space<vmem>>) semaphore(%run_scoped3A : memref<!tpu.dma_semaphore, #tpu.memory_space<semaphore_mem>>) {add = true}
        %dma_wait3A = arith.constant 0 : i32
        %dma_wait3A_17 = arith.constant 0 : i32
        %dma_wait3A_18 = tpu.memref_slice %arg9[%dma_wait3A, %dma_wait3A_17] : memref<10112x16xf32, #tpu.memory_space<vmem_shared>> -> memref<10112x16xf32, #tpu.memory_space<vmem_shared>>
        tpu.wait_indirect_dma semaphore(%run_scoped3A : memref<!tpu.dma_semaphore, #tpu.memory_space<semaphore_mem>>) src(%arg7 : memref<128x16xf32, #tpu.memory_space<vmem>>) dst(%dma_wait3A_18 : memref<10112x16xf32, #tpu.memory_space<vmem_shared>>)
        tpu.yield
      }) : () -> ()
    }
    %scan3A_9 = arith.constant 79 : i32
    %barrier3A_10 = arith.constant 0 : index
    tpu.barrier barrier_id(%barrier3A_10)
    "tpu.region"() ({
      %run_scoped3A = tpu.sem_alloc : memref<!tpu.dma_semaphore, #tpu.memory_space<semaphore_mem>>
      %dma_start3A = arith.constant 0 : i32
      %dma_start3A_11 = tpu.memref_slice %arg5[%arg0, %mul3A_2, %dma_start3A] : memref<2x10112x16xf32, #tpu.memory_space<hbm>> -> memref<1x632x16xf32, #tpu.memory_space<hbm>>
      %dma_start3A_12 = tpu.memref_squeeze %dma_start3A_11 : memref<1x632x16xf32, #tpu.memory_space<hbm>> -> memref<632x16xf32, #tpu.memory_space<hbm>>
      %dma_start3A_13 = arith.constant 0 : i32
      %dma_start3A_14 = tpu.memref_slice %arg9[%mul3A_2, %dma_start3A_13] : memref<10112x16xf32, #tpu.memory_space<vmem_shared>> -> memref<632x16xf32, #tpu.memory_space<vmem_shared>>
      tpu.enqueue_dma source(%dma_start3A_14 : memref<632x16xf32, #tpu.memory_space<vmem_shared>>) target(%dma_start3A_12 : memref<632x16xf32, #tpu.memory_space<hbm>>) target_semaphore(%run_scoped3A : memref<!tpu.dma_semaphore, #tpu.memory_space<semaphore_mem>>)
      %dma_wait3A = arith.constant 0 : i32
      %dma_wait3A_15 = tpu.memref_slice %arg5[%arg0, %mul3A_2, %dma_wait3A] : memref<2x10112x16xf32, #tpu.memory_space<hbm>> -> memref<1x632x16xf32, #tpu.memory_space<hbm>>
      %dma_wait3A_16 = tpu.memref_squeeze %dma_wait3A_15 : memref<1x632x16xf32, #tpu.memory_space<hbm>> -> memref<632x16xf32, #tpu.memory_space<hbm>>
      %dma_wait3A_17 = arith.constant 0 : i32
      %dma_wait3A_18 = tpu.memref_slice %arg9[%mul3A_2, %dma_wait3A_17] : memref<10112x16xf32, #tpu.memory_space<vmem_shared>> -> memref<632x16xf32, #tpu.memory_space<vmem_shared>>
      tpu.wait_dma2 semaphore(%run_scoped3A : memref<!tpu.dma_semaphore, #tpu.memory_space<semaphore_mem>>) src(%dma_wait3A_18 : memref<632x16xf32, #tpu.memory_space<vmem_shared>>) dst(%dma_wait3A_16 : memref<632x16xf32, #tpu.memory_space<hbm>>)
      tpu.yield
    }) : () -> ()
    return
  }
}

#map = affine_map<(d0, d1) -> (0, 0)>
#map1 = affine_map<(d0, d1) -> (0)>
#map2 = affine_map<(d0, d1) -> (0, 0, 0)>
module attributes {stable_mosaic.version = 14 : i64} {
  func.func @body(%arg0: i32, %arg1: i32, %arg2: memref<10000x64xf32, #tpu.memory_space<hbm>>, %arg3: memref<323584xi32, #tpu.memory_space<hbm>>, %arg4: memref<323584xi32, #tpu.memory_space<hbm>>, %arg5: memref<632x64xf32, #tpu.memory_space<hbm>>, %arg6: memref<2x10112x64xf32, #tpu.memory_space<hbm>>, %arg7: memref<128xi32, #tpu.memory_space<vmem>>, %arg8: memref<128xi32, #tpu.memory_space<vmem>>, %arg9: memref<128x64xf32, #tpu.memory_space<vmem>>, %arg10: memref<632x64xf32, #tpu.memory_space<vmem>>, %arg11: memref<10112x64xf32, #tpu.memory_space<vmem_shared>>, %arg12: memref<!tpu.dma_semaphore, #tpu.memory_space<semaphore_mem>>) attributes {dimension_semantics = [#tpu.dimension_semantics<core_parallel>, #tpu.dimension_semantics<subcore_parallel>], iteration_bounds = array<i64: 2, 16>, scalar_prefetch = 0 : i64, scratch_operands = 6 : i64, tpu.core_type = #tpu.core_type<sc_vector_subcore>, window_params = [{transform_indices = #map}, {transform_indices = #map1}, {transform_indices = #map1}, {transform_indices = #map}, {transform_indices = #map2}]} {
    %mul3A = arith.constant 2 : i32
    %mul3A_0 = arith.muli %arg1, %mul3A : i32
    %add3A = arith.addi %mul3A_0, %arg0 : i32
    %mul3A_1 = arith.constant 632 : i32
    %mul3A_2 = arith.muli %arg1, %mul3A_1 : i32
    "tpu.region"() ({
      %run_scoped3A = tpu.sem_alloc : memref<!tpu.dma_semaphore, #tpu.memory_space<semaphore_mem>>
      tpu.enqueue_dma source(%arg5 : memref<632x64xf32, #tpu.memory_space<hbm>>) target(%arg10 : memref<632x64xf32, #tpu.memory_space<vmem>>) target_semaphore(%run_scoped3A : memref<!tpu.dma_semaphore, #tpu.memory_space<semaphore_mem>>)
      tpu.wait_dma2 semaphore(%run_scoped3A : memref<!tpu.dma_semaphore, #tpu.memory_space<semaphore_mem>>) src(%arg5 : memref<632x64xf32, #tpu.memory_space<hbm>>) dst(%arg10 : memref<632x64xf32, #tpu.memory_space<vmem>>)
      tpu.yield
    }) : () -> ()
    "tpu.region"() ({
      %run_scoped3A = tpu.sem_alloc : memref<!tpu.dma_semaphore, #tpu.memory_space<semaphore_mem>>
      %dma_start3A = arith.constant 0 : i32
      %dma_start3A_11 = tpu.memref_slice %arg11[%mul3A_2, %dma_start3A] : memref<10112x64xf32, #tpu.memory_space<vmem_shared>> -> memref<632x64xf32, #tpu.memory_space<vmem_shared>>
      %dma_start3A_12 = arith.constant 0 : i32
      %dma_start3A_13 = tpu.memref_slice %arg11[%mul3A_2, %dma_start3A_12] : memref<10112x64xf32, #tpu.memory_space<vmem_shared>> -> memref<632x64xf32, #tpu.memory_space<vmem_shared>>
      tpu.enqueue_dma source(%arg10 : memref<632x64xf32, #tpu.memory_space<vmem>>) target(%dma_start3A_13 : memref<632x64xf32, #tpu.memory_space<vmem_shared>>) target_semaphore(%run_scoped3A : memref<!tpu.dma_semaphore, #tpu.memory_space<semaphore_mem>>)
      %dma_wait3A = arith.constant 0 : i32
      %dma_wait3A_14 = tpu.memref_slice %arg11[%mul3A_2, %dma_wait3A] : memref<10112x64xf32, #tpu.memory_space<vmem_shared>> -> memref<632x64xf32, #tpu.memory_space<vmem_shared>>
      %dma_wait3A_15 = arith.constant 0 : i32
      %dma_wait3A_16 = tpu.memref_slice %arg11[%mul3A_2, %dma_wait3A_15] : memref<10112x64xf32, #tpu.memory_space<vmem_shared>> -> memref<632x64xf32, #tpu.memory_space<vmem_shared>>
      tpu.wait_dma2 semaphore(%run_scoped3A : memref<!tpu.dma_semaphore, #tpu.memory_space<semaphore_mem>>) src(%arg10 : memref<632x64xf32, #tpu.memory_space<vmem>>) dst(%dma_wait3A_16 : memref<632x64xf32, #tpu.memory_space<vmem_shared>>)
      tpu.yield
    }) : () -> ()
    %barrier3A = arith.constant 0 : index
    tpu.barrier barrier_id(%barrier3A)
    %mul3A_3 = arith.constant 10112 : i32
    %mul3A_4 = arith.muli %add3A, %mul3A_3 : i32
    %scan3A = arith.constant 0 : i32
    %scan3A_5 = arith.constant 0 : i32
    %scan3A_6 = arith.constant 79 : i32
    %scan3A_7 = arith.addi %scan3A_5, %scan3A_6 : i32
    %scan3A_8 = arith.constant 1 : i32
    scf.for %scan3A_11 = %scan3A_5 to %scan3A_7 step %scan3A_8  : i32 {
      %mul3A_12 = arith.constant 128 : i32
      %mul3A_13 = arith.muli %scan3A_11, %mul3A_12 : i32
      %add3A_14 = arith.addi %mul3A_4, %mul3A_13 : i32
      "tpu.region"() ({
        %run_scoped3A = tpu.sem_alloc : memref<!tpu.dma_semaphore, #tpu.memory_space<semaphore_mem>>
        %dma_start3A_19 = tpu.memref_slice %arg4[%add3A_14] : memref<323584xi32, #tpu.memory_space<hbm>> -> memref<128xi32, #tpu.memory_space<hbm>>
        %dma_start3A_20 = tpu.memref_slice %arg4[%add3A_14] : memref<323584xi32, #tpu.memory_space<hbm>> -> memref<128xi32, #tpu.memory_space<hbm>>
        tpu.enqueue_dma source(%dma_start3A_20 : memref<128xi32, #tpu.memory_space<hbm>>) target(%arg8 : memref<128xi32, #tpu.memory_space<vmem>>) target_semaphore(%run_scoped3A : memref<!tpu.dma_semaphore, #tpu.memory_space<semaphore_mem>>)
        %dma_wait3A_21 = tpu.memref_slice %arg4[%add3A_14] : memref<323584xi32, #tpu.memory_space<hbm>> -> memref<128xi32, #tpu.memory_space<hbm>>
        %dma_wait3A_22 = tpu.memref_slice %arg4[%add3A_14] : memref<323584xi32, #tpu.memory_space<hbm>> -> memref<128xi32, #tpu.memory_space<hbm>>
        tpu.wait_dma2 semaphore(%run_scoped3A : memref<!tpu.dma_semaphore, #tpu.memory_space<semaphore_mem>>) src(%dma_wait3A_22 : memref<128xi32, #tpu.memory_space<hbm>>) dst(%arg8 : memref<128xi32, #tpu.memory_space<vmem>>)
        tpu.yield
      }) : () -> ()
      "tpu.region"() ({
        %run_scoped3A = tpu.sem_alloc : memref<!tpu.dma_semaphore, #tpu.memory_space<semaphore_mem>>
        %dma_start3A_19 = tpu.memref_slice %arg3[%add3A_14] : memref<323584xi32, #tpu.memory_space<hbm>> -> memref<128xi32, #tpu.memory_space<hbm>>
        %dma_start3A_20 = tpu.memref_slice %arg3[%add3A_14] : memref<323584xi32, #tpu.memory_space<hbm>> -> memref<128xi32, #tpu.memory_space<hbm>>
        tpu.enqueue_dma source(%dma_start3A_20 : memref<128xi32, #tpu.memory_space<hbm>>) target(%arg7 : memref<128xi32, #tpu.memory_space<vmem>>) target_semaphore(%run_scoped3A : memref<!tpu.dma_semaphore, #tpu.memory_space<semaphore_mem>>)
        %dma_wait3A_21 = tpu.memref_slice %arg3[%add3A_14] : memref<323584xi32, #tpu.memory_space<hbm>> -> memref<128xi32, #tpu.memory_space<hbm>>
        %dma_wait3A_22 = tpu.memref_slice %arg3[%add3A_14] : memref<323584xi32, #tpu.memory_space<hbm>> -> memref<128xi32, #tpu.memory_space<hbm>>
        tpu.wait_dma2 semaphore(%run_scoped3A : memref<!tpu.dma_semaphore, #tpu.memory_space<semaphore_mem>>) src(%dma_wait3A_22 : memref<128xi32, #tpu.memory_space<hbm>>) dst(%arg7 : memref<128xi32, #tpu.memory_space<vmem>>)
        tpu.yield
      }) : () -> ()
      %dma_start3A = arith.constant 0 : i32
      %dma_start3A_15 = arith.constant 0 : i32
      %dma_start3A_16 = tpu.memref_slice %arg2[%dma_start3A, %dma_start3A_15] : memref<10000x64xf32, #tpu.memory_space<hbm>> -> memref<10000x64xf32, #tpu.memory_space<hbm>>
      tpu.enqueue_indirect_dma source(%dma_start3A_16 : memref<10000x64xf32, #tpu.memory_space<hbm>>) target(%arg9 : memref<128x64xf32, #tpu.memory_space<vmem>>) offsets(%arg7 : memref<128xi32, #tpu.memory_space<vmem>>) semaphore(%arg12 : memref<!tpu.dma_semaphore, #tpu.memory_space<semaphore_mem>>)
      %dma_wait3A = arith.constant 0 : i32
      %dma_wait3A_17 = arith.constant 0 : i32
      %dma_wait3A_18 = tpu.memref_slice %arg2[%dma_wait3A, %dma_wait3A_17] : memref<10000x64xf32, #tpu.memory_space<hbm>> -> memref<10000x64xf32, #tpu.memory_space<hbm>>
      tpu.wait_indirect_dma semaphore(%arg12 : memref<!tpu.dma_semaphore, #tpu.memory_space<semaphore_mem>>) src(%dma_wait3A_18 : memref<10000x64xf32, #tpu.memory_space<hbm>>) dst(%arg9 : memref<128x64xf32, #tpu.memory_space<vmem>>)
      "tpu.region"() ({
        %run_scoped3A = tpu.sem_alloc : memref<!tpu.dma_semaphore, #tpu.memory_space<semaphore_mem>>
        %dma_start3A_19 = arith.constant 0 : i32
        %dma_start3A_20 = arith.constant 0 : i32
        %dma_start3A_21 = tpu.memref_slice %arg11[%dma_start3A_19, %dma_start3A_20] : memref<10112x64xf32, #tpu.memory_space<vmem_shared>> -> memref<10112x64xf32, #tpu.memory_space<vmem_shared>>
        tpu.enqueue_indirect_dma source(%arg9 : memref<128x64xf32, #tpu.memory_space<vmem>>) target(%dma_start3A_21 : memref<10112x64xf32, #tpu.memory_space<vmem_shared>>) offsets(%arg8 : memref<128xi32, #tpu.memory_space<vmem>>) semaphore(%run_scoped3A : memref<!tpu.dma_semaphore, #tpu.memory_space<semaphore_mem>>) {add = true}
        %dma_wait3A_22 = arith.constant 0 : i32
        %dma_wait3A_23 = arith.constant 0 : i32
        %dma_wait3A_24 = tpu.memref_slice %arg11[%dma_wait3A_22, %dma_wait3A_23] : memref<10112x64xf32, #tpu.memory_space<vmem_shared>> -> memref<10112x64xf32, #tpu.memory_space<vmem_shared>>
        tpu.wait_indirect_dma semaphore(%run_scoped3A : memref<!tpu.dma_semaphore, #tpu.memory_space<semaphore_mem>>) src(%arg9 : memref<128x64xf32, #tpu.memory_space<vmem>>) dst(%dma_wait3A_24 : memref<10112x64xf32, #tpu.memory_space<vmem_shared>>)
        tpu.yield
      }) : () -> ()
    }
    %scan3A_9 = arith.constant 79 : i32
    %barrier3A_10 = arith.constant 0 : index
    tpu.barrier barrier_id(%barrier3A_10)
    "tpu.region"() ({
      %run_scoped3A = tpu.sem_alloc : memref<!tpu.dma_semaphore, #tpu.memory_space<semaphore_mem>>
      %dma_start3A = arith.constant 0 : i32
      %dma_start3A_11 = tpu.memref_slice %arg6[%arg0, %mul3A_2, %dma_start3A] : memref<2x10112x64xf32, #tpu.memory_space<hbm>> -> memref<1x632x64xf32, #tpu.memory_space<hbm>>
      %dma_start3A_12 = tpu.memref_squeeze %dma_start3A_11 : memref<1x632x64xf32, #tpu.memory_space<hbm>> -> memref<632x64xf32, #tpu.memory_space<hbm>>
      %dma_start3A_13 = arith.constant 0 : i32
      %dma_start3A_14 = tpu.memref_slice %arg11[%mul3A_2, %dma_start3A_13] : memref<10112x64xf32, #tpu.memory_space<vmem_shared>> -> memref<632x64xf32, #tpu.memory_space<vmem_shared>>
      tpu.enqueue_dma source(%dma_start3A_14 : memref<632x64xf32, #tpu.memory_space<vmem_shared>>) target(%dma_start3A_12 : memref<632x64xf32, #tpu.memory_space<hbm>>) target_semaphore(%run_scoped3A : memref<!tpu.dma_semaphore, #tpu.memory_space<semaphore_mem>>)
      %dma_wait3A = arith.constant 0 : i32
      %dma_wait3A_15 = tpu.memref_slice %arg6[%arg0, %mul3A_2, %dma_wait3A] : memref<2x10112x64xf32, #tpu.memory_space<hbm>> -> memref<1x632x64xf32, #tpu.memory_space<hbm>>
      %dma_wait3A_16 = tpu.memref_squeeze %dma_wait3A_15 : memref<1x632x64xf32, #tpu.memory_space<hbm>> -> memref<632x64xf32, #tpu.memory_space<hbm>>
      %dma_wait3A_17 = arith.constant 0 : i32
      %dma_wait3A_18 = tpu.memref_slice %arg11[%mul3A_2, %dma_wait3A_17] : memref<10112x64xf32, #tpu.memory_space<vmem_shared>> -> memref<632x64xf32, #tpu.memory_space<vmem_shared>>
      tpu.wait_dma2 semaphore(%run_scoped3A : memref<!tpu.dma_semaphore, #tpu.memory_space<semaphore_mem>>) src(%dma_wait3A_18 : memref<632x64xf32, #tpu.memory_space<vmem_shared>>) dst(%dma_wait3A_16 : memref<632x64xf32, #tpu.memory_space<hbm>>)
      tpu.yield
    }) : () -> ()
    return
  }
}

module attributes {stable_mosaic.version = 14 : i64} {
  func.func @body(%arg0: i32, %arg1: memref<2000x16xf32, #tpu.memory_space<vmem>>, %arg2: memref<2000x16xf32, #tpu.memory_space<vmem>>, %arg3: memref<2000x128xf32, #tpu.memory_space<vmem>>, %arg4: memref<128x64xf32, #tpu.memory_space<vmem>>, %arg5: memref<2000x64xf32, #tpu.memory_space<vmem>>, %arg6: memref<2000x64xf32, #tpu.memory_space<vmem>>, %arg7: memref<2000x1xf32, #tpu.memory_space<vmem>>) attributes {dimension_semantics = [#tpu.dimension_semantics<arbitrary>], iteration_bounds = array<i64: 5>, scalar_prefetch = 0 : i64, scratch_operands = 0 : i64, tpu.core_type = #tpu.core_type<tc>, window_params = [{transform_indices = @transform_0, window_bounds = array<i64: 2000, 16>}, {transform_indices = @transform_1, window_bounds = array<i64: 2000, 16>}, {transform_indices = @transform_2, window_bounds = array<i64: 2000, 128>}, {pipeline_mode = #tpu.pipeline_mode<synchronous>, transform_indices = @transform_3, window_bounds = array<i64: 128, 64>}, {transform_indices = @transform_4, window_bounds = array<i64: 2000, 64>}, {transform_indices = @transform_5, window_bounds = array<i64: 2000, 64>}, {transform_indices = @transform_6, window_bounds = array<i64: 2000, 1>}]} {
    %get3A = arith.constant 0 : index
    %get3A_0 = arith.constant 0 : index
    %get3A_1 = vector.load %arg1[%get3A, %get3A_0] : memref<2000x16xf32, #tpu.memory_space<vmem>>, vector<2000x1xf32>
    %get3A_2 = arith.constant 0 : index
    %get3A_3 = arith.constant 0 : index
    %get3A_4 = vector.load %arg2[%get3A_2, %get3A_3] : memref<2000x16xf32, #tpu.memory_space<vmem>>, vector<2000x1xf32>
    %add3A = arith.addf %get3A_1, %get3A_4 : vector<2000x1xf32>
    %max3A = arith.constant 1.000000e+00 : f32
    %max3A_5 = vector.broadcast %max3A : f32 to vector<2000x1xf32>
    %max3A_6 = arith.maximumf %add3A, %max3A_5 : vector<2000x1xf32>
    %rsqrt3A = math.rsqrt %max3A_6 : vector<2000x1xf32>
    %get3A_7 = arith.constant 0 : index
    %get3A_8 = arith.constant 0 : index
    %get3A_9 = vector.load %arg3[%get3A_7, %get3A_8] : memref<2000x128xf32, #tpu.memory_space<vmem>>, vector<2000x128xf32>
    %get3A_10 = arith.constant 0 : index
    %get3A_11 = arith.constant 0 : index
    %get3A_12 = vector.load %arg4[%get3A_10, %get3A_11] : memref<128x64xf32, #tpu.memory_space<vmem>>, vector<128x64xf32>
    %dot_general3A = arith.constant dense<0.000000e+00> : vector<2000x64xf32>
    %dot_general3A_13 = tpu.matmul %get3A_9, %get3A_12, %dot_general3A {dimension_numbers = #tpu.dot_dimension_numbers<[1], [0], [0], [1], [0, 0, 1, 1], [], []>, transpose_lhs_hint = false} : vector<2000x128xf32>, vector<128x64xf32>, vector<2000x64xf32> -> vector<2000x64xf32>
    %swap3A = arith.constant 0 : index
    %swap3A_14 = arith.constant 0 : index
    %swap3A_15 = vector.load %arg5[%swap3A, %swap3A_14] : memref<2000x64xf32, #tpu.memory_space<vmem>>, vector<2000x64xf32>
    tpu.vector_store %arg5[%swap3A, %swap3A_14], %dot_general3A_13 {strides = array<i32>} : memref<2000x64xf32, #tpu.memory_space<vmem>>, vector<2000x64xf32>,
    %mul3A = vector.broadcast %rsqrt3A : vector<2000x1xf32> to vector<2000x64xf32>
    %mul3A_16 = arith.mulf %dot_general3A_13, %mul3A : vector<2000x64xf32>
    %swap3A_17 = arith.constant 0 : index
    %swap3A_18 = arith.constant 0 : index
    %swap3A_19 = vector.load %arg6[%swap3A_17, %swap3A_18] : memref<2000x64xf32, #tpu.memory_space<vmem>>, vector<2000x64xf32>
    tpu.vector_store %arg6[%swap3A_17, %swap3A_18], %mul3A_16 {strides = array<i32>} : memref<2000x64xf32, #tpu.memory_space<vmem>>, vector<2000x64xf32>,
    %swap3A_20 = arith.constant 0 : index
    %swap3A_21 = arith.constant 0 : index
    %swap3A_22 = vector.load %arg7[%swap3A_20, %swap3A_21] : memref<2000x1xf32, #tpu.memory_space<vmem>>, vector<2000x1xf32>
    tpu.vector_store %arg7[%swap3A_20, %swap3A_21], %rsqrt3A {strides = array<i32>} : memref<2000x1xf32, #tpu.memory_space<vmem>>, vector<2000x1xf32>,
    return
  }
  func.func @transform_0(%arg0: i32) -> (i32, i32) {
    %c0_i32 = arith.constant 0 : i32
    %c0_i32_0 = arith.constant 0 : i32
    return %arg0, %c0_i32 : i32, i32
  }
  func.func @transform_1(%arg0: i32) -> (i32, i32) {
    %c0_i32 = arith.constant 0 : i32
    %c0_i32_0 = arith.constant 0 : i32
    return %arg0, %c0_i32 : i32, i32
  }
  func.func @transform_2(%arg0: i32) -> (i32, i32) {
    %c0_i32 = arith.constant 0 : i32
    %c0_i32_0 = arith.constant 0 : i32
    return %arg0, %c0_i32 : i32, i32
  }
  func.func @transform_3(%arg0: i32) -> (i32, i32) {
    %c0_i32 = arith.constant 0 : i32
    %c0_i32_0 = arith.constant 0 : i32
    %c0_i32_1 = arith.constant 0 : i32
    return %c0_i32, %c0_i32_0 : i32, i32
  }
  func.func @transform_4(%arg0: i32) -> (i32, i32) {
    %c0_i32 = arith.constant 0 : i32
    %c0_i32_0 = arith.constant 0 : i32
    return %arg0, %c0_i32 : i32, i32
  }
  func.func @transform_5(%arg0: i32) -> (i32, i32) {
    %c0_i32 = arith.constant 0 : i32
    %c0_i32_0 = arith.constant 0 : i32
    return %arg0, %c0_i32 : i32, i32
  }
  func.func @transform_6(%arg0: i32) -> (i32, i32) {
    %c0_i32 = arith.constant 0 : i32
    %c0_i32_0 = arith.constant 0 : i32
    return %arg0, %c0_i32 : i32, i32
  }
}

module attributes {stable_mosaic.version = 14 : i64} {
  func.func @body(%arg0: i32, %arg1: memref<2000x64xf32, #tpu.memory_space<vmem>>, %arg2: memref<2000x64xf32, #tpu.memory_space<vmem>>, %arg3: memref<2000x64xf32, #tpu.memory_space<vmem>>, %arg4: memref<2000x1xf32, #tpu.memory_space<vmem>>, %arg5: memref<1x64xf32, #tpu.memory_space<vmem>>, %arg6: memref<64x16xf32, #tpu.memory_space<vmem>>, %arg7: memref<2000x16xf32, #tpu.memory_space<vmem>>, %arg8: memref<2000x16xf32, #tpu.memory_space<vmem>>) attributes {dimension_semantics = [#tpu.dimension_semantics<arbitrary>], iteration_bounds = array<i64: 5>, scalar_prefetch = 0 : i64, scratch_operands = 0 : i64, tpu.core_type = #tpu.core_type<tc>, window_params = [{transform_indices = @transform_0, window_bounds = array<i64: 2000, 64>}, {transform_indices = @transform_1, window_bounds = array<i64: 2000, 64>}, {transform_indices = @transform_2, window_bounds = array<i64: 2000, 64>}, {transform_indices = @transform_3, window_bounds = array<i64: 2000, 1>}, {pipeline_mode = #tpu.pipeline_mode<synchronous>, transform_indices = @transform_4, window_bounds = array<i64: 1, 64>}, {pipeline_mode = #tpu.pipeline_mode<synchronous>, transform_indices = @transform_5, window_bounds = array<i64: 64, 16>}, {transform_indices = @transform_6, window_bounds = array<i64: 2000, 16>}, {transform_indices = @transform_7, window_bounds = array<i64: 2000, 16>}]} {
    %get3A = arith.constant 0 : index
    %get3A_0 = arith.constant 0 : index
    %get3A_1 = vector.load %arg4[%get3A, %get3A_0] : memref<2000x1xf32, #tpu.memory_space<vmem>>, vector<2000x1xf32>
    %get3A_2 = arith.constant 0 : index
    %get3A_3 = arith.constant 0 : index
    %get3A_4 = vector.load %arg1[%get3A_2, %get3A_3] : memref<2000x64xf32, #tpu.memory_space<vmem>>, vector<2000x64xf32>
    %get3A_5 = arith.constant 0 : index
    %get3A_6 = arith.constant 0 : index
    %get3A_7 = vector.load %arg2[%get3A_5, %get3A_6] : memref<2000x64xf32, #tpu.memory_space<vmem>>, vector<2000x64xf32>
    %add3A = arith.addf %get3A_4, %get3A_7 : vector<2000x64xf32>
    %mul3A = vector.broadcast %get3A_1 : vector<2000x1xf32> to vector<2000x64xf32>
    %mul3A_8 = arith.mulf %mul3A, %add3A : vector<2000x64xf32>
    %mul3A_9 = arith.mulf %get3A_1, %get3A_1 : vector<2000x1xf32>
    %get3A_10 = arith.constant 0 : index
    %get3A_11 = arith.constant 0 : index
    %get3A_12 = vector.load %arg3[%get3A_10, %get3A_11] : memref<2000x64xf32, #tpu.memory_space<vmem>>, vector<2000x64xf32>
    %mul3A_13 = vector.broadcast %mul3A_9 : vector<2000x1xf32> to vector<2000x64xf32>
    %mul3A_14 = arith.mulf %mul3A_13, %get3A_12 : vector<2000x64xf32>
    %add3A_15 = arith.addf %mul3A_8, %mul3A_14 : vector<2000x64xf32>
    %get3A_16 = arith.constant 0 : index
    %get3A_17 = arith.constant 0 : index
    %get3A_18 = vector.load %arg5[%get3A_16, %get3A_17] : memref<1x64xf32, #tpu.memory_space<vmem>>, vector<1x64xf32>
    %add3A_19 = vector.broadcast %get3A_18 : vector<1x64xf32> to vector<2000x64xf32>
    %add3A_20 = arith.addf %add3A_15, %add3A_19 : vector<2000x64xf32>
    %max3A = arith.constant 0.000000e+00 : f32
    %max3A_21 = vector.broadcast %max3A : f32 to vector<2000x64xf32>
    %max3A_22 = arith.maximumf %add3A_20, %max3A_21 : vector<2000x64xf32>
    %get3A_23 = arith.constant 0 : index
    %get3A_24 = arith.constant 0 : index
    %get3A_25 = vector.load %arg6[%get3A_23, %get3A_24] : memref<64x16xf32, #tpu.memory_space<vmem>>, vector<64x16xf32>
    %dot_general3A = arith.constant dense<0.000000e+00> : vector<2000x16xf32>
    %dot_general3A_26 = tpu.matmul %max3A_22, %get3A_25, %dot_general3A {dimension_numbers = #tpu.dot_dimension_numbers<[1], [0], [0], [1], [0, 0, 1, 1], [], []>, transpose_lhs_hint = false} : vector<2000x64xf32>, vector<64x16xf32>, vector<2000x16xf32> -> vector<2000x16xf32>
    %swap3A = arith.constant 0 : index
    %swap3A_27 = arith.constant 0 : index
    %swap3A_28 = vector.load %arg7[%swap3A, %swap3A_27] : memref<2000x16xf32, #tpu.memory_space<vmem>>, vector<2000x16xf32>
    tpu.vector_store %arg7[%swap3A, %swap3A_27], %dot_general3A_26 {strides = array<i32>} : memref<2000x16xf32, #tpu.memory_space<vmem>>, vector<2000x16xf32>,
    %mul3A_29 = vector.broadcast %get3A_1 : vector<2000x1xf32> to vector<2000x16xf32>
    %mul3A_30 = arith.mulf %dot_general3A_26, %mul3A_29 : vector<2000x16xf32>
    %swap3A_31 = arith.constant 0 : index
    %swap3A_32 = arith.constant 0 : index
    %swap3A_33 = vector.load %arg8[%swap3A_31, %swap3A_32] : memref<2000x16xf32, #tpu.memory_space<vmem>>, vector<2000x16xf32>
    tpu.vector_store %arg8[%swap3A_31, %swap3A_32], %mul3A_30 {strides = array<i32>} : memref<2000x16xf32, #tpu.memory_space<vmem>>, vector<2000x16xf32>,
    return
  }
  func.func @transform_0(%arg0: i32) -> (i32, i32) {
    %c0_i32 = arith.constant 0 : i32
    %c0_i32_0 = arith.constant 0 : i32
    return %arg0, %c0_i32 : i32, i32
  }
  func.func @transform_1(%arg0: i32) -> (i32, i32) {
    %c0_i32 = arith.constant 0 : i32
    %c0_i32_0 = arith.constant 0 : i32
    return %arg0, %c0_i32 : i32, i32
  }
  func.func @transform_2(%arg0: i32) -> (i32, i32) {
    %c0_i32 = arith.constant 0 : i32
    %c0_i32_0 = arith.constant 0 : i32
    return %arg0, %c0_i32 : i32, i32
  }
  func.func @transform_3(%arg0: i32) -> (i32, i32) {
    %c0_i32 = arith.constant 0 : i32
    %c0_i32_0 = arith.constant 0 : i32
    return %arg0, %c0_i32 : i32, i32
  }
  func.func @transform_4(%arg0: i32) -> (i32, i32) {
    %c0_i32 = arith.constant 0 : i32
    %c0_i32_0 = arith.constant 0 : i32
    %c0_i32_1 = arith.constant 0 : i32
    return %c0_i32, %c0_i32_0 : i32, i32
  }
  func.func @transform_5(%arg0: i32) -> (i32, i32) {
    %c0_i32 = arith.constant 0 : i32
    %c0_i32_0 = arith.constant 0 : i32
    %c0_i32_1 = arith.constant 0 : i32
    return %c0_i32, %c0_i32_0 : i32, i32
  }
  func.func @transform_6(%arg0: i32) -> (i32, i32) {
    %c0_i32 = arith.constant 0 : i32
    %c0_i32_0 = arith.constant 0 : i32
    return %arg0, %c0_i32 : i32, i32
  }
  func.func @transform_7(%arg0: i32) -> (i32, i32) {
    %c0_i32 = arith.constant 0 : i32
    %c0_i32_0 = arith.constant 0 : i32
    return %arg0, %c0_i32 : i32, i32
  }
}

module attributes {stable_mosaic.version = 14 : i64} {
  func.func @body(%arg0: i32, %arg1: memref<2000x16xf32, #tpu.memory_space<vmem>>, %arg2: memref<2000x16xf32, #tpu.memory_space<vmem>>, %arg3: memref<2000x16xf32, #tpu.memory_space<vmem>>, %arg4: memref<2000x1xf32, #tpu.memory_space<vmem>>, %arg5: memref<1x16xf32, #tpu.memory_space<vmem>>, %arg6: memref<2000x16xf32, #tpu.memory_space<vmem>>) attributes {dimension_semantics = [#tpu.dimension_semantics<arbitrary>], iteration_bounds = array<i64: 5>, scalar_prefetch = 0 : i64, scratch_operands = 0 : i64, tpu.core_type = #tpu.core_type<tc>, window_params = [{transform_indices = @transform_0, window_bounds = array<i64: 2000, 16>}, {transform_indices = @transform_1, window_bounds = array<i64: 2000, 16>}, {transform_indices = @transform_2, window_bounds = array<i64: 2000, 16>}, {transform_indices = @transform_3, window_bounds = array<i64: 2000, 1>}, {pipeline_mode = #tpu.pipeline_mode<synchronous>, transform_indices = @transform_4, window_bounds = array<i64: 1, 16>}, {transform_indices = @transform_5, window_bounds = array<i64: 2000, 16>}]} {
    %get3A = arith.constant 0 : index
    %get3A_0 = arith.constant 0 : index
    %get3A_1 = vector.load %arg4[%get3A, %get3A_0] : memref<2000x1xf32, #tpu.memory_space<vmem>>, vector<2000x1xf32>
    %get3A_2 = arith.constant 0 : index
    %get3A_3 = arith.constant 0 : index
    %get3A_4 = vector.load %arg1[%get3A_2, %get3A_3] : memref<2000x16xf32, #tpu.memory_space<vmem>>, vector<2000x16xf32>
    %get3A_5 = arith.constant 0 : index
    %get3A_6 = arith.constant 0 : index
    %get3A_7 = vector.load %arg2[%get3A_5, %get3A_6] : memref<2000x16xf32, #tpu.memory_space<vmem>>, vector<2000x16xf32>
    %add3A = arith.addf %get3A_4, %get3A_7 : vector<2000x16xf32>
    %mul3A = vector.broadcast %get3A_1 : vector<2000x1xf32> to vector<2000x16xf32>
    %mul3A_8 = arith.mulf %mul3A, %add3A : vector<2000x16xf32>
    %mul3A_9 = arith.mulf %get3A_1, %get3A_1 : vector<2000x1xf32>
    %get3A_10 = arith.constant 0 : index
    %get3A_11 = arith.constant 0 : index
    %get3A_12 = vector.load %arg3[%get3A_10, %get3A_11] : memref<2000x16xf32, #tpu.memory_space<vmem>>, vector<2000x16xf32>
    %mul3A_13 = vector.broadcast %mul3A_9 : vector<2000x1xf32> to vector<2000x16xf32>
    %mul3A_14 = arith.mulf %mul3A_13, %get3A_12 : vector<2000x16xf32>
    %add3A_15 = arith.addf %mul3A_8, %mul3A_14 : vector<2000x16xf32>
    %get3A_16 = arith.constant 0 : index
    %get3A_17 = arith.constant 0 : index
    %get3A_18 = vector.load %arg5[%get3A_16, %get3A_17] : memref<1x16xf32, #tpu.memory_space<vmem>>, vector<1x16xf32>
    %add3A_19 = vector.broadcast %get3A_18 : vector<1x16xf32> to vector<2000x16xf32>
    %add3A_20 = arith.addf %add3A_15, %add3A_19 : vector<2000x16xf32>
    %reduce_max3A = arith.constant dense<0xFF800000> : vector<2000xf32>
    %reduce_max3A_21 = vector.multi_reduction <maximumf>, %add3A_20, %reduce_max3A [1] : vector<2000x16xf32> to vector<2000xf32>
    %broadcast_in_dim3A = vector.shape_cast %reduce_max3A_21 : vector<2000xf32> to vector<2000x1xf32>
    %sub3A = vector.broadcast %broadcast_in_dim3A : vector<2000x1xf32> to vector<2000x16xf32>
    %sub3A_22 = arith.subf %add3A_20, %sub3A : vector<2000x16xf32>
    %exp3A = math.exp %sub3A_22 : vector<2000x16xf32>
    %reduce_sum3A = arith.constant dense<0.000000e+00> : vector<2000xf32>
    %reduce_sum3A_23 = vector.multi_reduction <add>, %exp3A, %reduce_sum3A [1] : vector<2000x16xf32> to vector<2000xf32>
    %broadcast_in_dim3A_24 = vector.shape_cast %reduce_sum3A_23 : vector<2000xf32> to vector<2000x1xf32>
    %log3A = math.log %broadcast_in_dim3A_24 : vector<2000x1xf32>
    %sub3A_25 = vector.broadcast %broadcast_in_dim3A : vector<2000x1xf32> to vector<2000x16xf32>
    %sub3A_26 = arith.subf %add3A_20, %sub3A_25 : vector<2000x16xf32>
    %sub3A_27 = vector.broadcast %log3A : vector<2000x1xf32> to vector<2000x16xf32>
    %sub3A_28 = arith.subf %sub3A_26, %sub3A_27 : vector<2000x16xf32>
    %swap3A = arith.constant 0 : index
    %swap3A_29 = arith.constant 0 : index
    %swap3A_30 = vector.load %arg6[%swap3A, %swap3A_29] : memref<2000x16xf32, #tpu.memory_space<vmem>>, vector<2000x16xf32>
    tpu.vector_store %arg6[%swap3A, %swap3A_29], %sub3A_28 {strides = array<i32>} : memref<2000x16xf32, #tpu.memory_space<vmem>>, vector<2000x16xf32>,
    return
  }
  func.func @transform_0(%arg0: i32) -> (i32, i32) {
    %c0_i32 = arith.constant 0 : i32
    %c0_i32_0 = arith.constant 0 : i32
    return %arg0, %c0_i32 : i32, i32
  }
  func.func @transform_1(%arg0: i32) -> (i32, i32) {
    %c0_i32 = arith.constant 0 : i32
    %c0_i32_0 = arith.constant 0 : i32
    return %arg0, %c0_i32 : i32, i32
  }
  func.func @transform_2(%arg0: i32) -> (i32, i32) {
    %c0_i32 = arith.constant 0 : i32
    %c0_i32_0 = arith.constant 0 : i32
    return %arg0, %c0_i32 : i32, i32
  }
  func.func @transform_3(%arg0: i32) -> (i32, i32) {
    %c0_i32 = arith.constant 0 : i32
    %c0_i32_0 = arith.constant 0 : i32
    return %arg0, %c0_i32 : i32, i32
  }
  func.func @transform_4(%arg0: i32) -> (i32, i32) {
    %c0_i32 = arith.constant 0 : i32
    %c0_i32_0 = arith.constant 0 : i32
    %c0_i32_1 = arith.constant 0 : i32
    return %c0_i32, %c0_i32_0 : i32, i32
  }
  func.func @transform_5(%arg0: i32) -> (i32, i32) {
    %c0_i32 = arith.constant 0 : i32
    %c0_i32_0 = arith.constant 0 : i32
    return %arg0, %c0_i32 : i32, i32
  }
}

</mosaic_0001>

<sc_bundles>
// kernel: kernel.11.cloned.1.call-start
scs
__scs_entry_jumppad:
0x0: {  	(pc) =	sbr.rel $0x88, $3  }
0x1: {  	(tag) =	ssettag $0x0;
	lr =	simm.s32 $0x1  }
0x2: {  	[smem:$0x3F9B] =	sst lr;
	_ =	strace $0xD0000000  }
0x3: {  	_ = 	snop  }
0x4: {  	_ = 	snop  }
0x5: {  	_ = 	snop  }
0x6: {  	_ = 	snop  }
0x7: {  	_ = 	snop  }
__scs_overlays_trampoline_lowered:
0x8: {  	[smem:$0x3FAA] =	sst s0  }
0x9: {  	[smem:$0x3FAB] =	sst s1  }
0xa: {  	[smem:$0x3FAC] =	sst s2  }
0xb: {  	[smem:$0x3FAD] =	sst s3  }
0xc: {  	[smem:$0x3FAE] =	sst s4  }
0xd: {  	[smem:$0x3FAF] =	sst s5  }
0xe: {  	[smem:$0x3FB0] =	sst s6  }
0xf: {  	[smem:$0x3FB1] =	sst s7  }
0x10: {  	[smem:$0x3FB2] =	sst s8  }
0x11: {  	[smem:$0x3FB3] =	sst s9;
	s0 =	simm.s32 @!p0 $0x0  }
0x12: {  	s1 =	sld [smem:$0x3F99];
	s0 =	simm.s32 @p0 $0x1  }
0x13: {  	[smem:$0x3FB4] =	sst s0;
	s0 =	simm.s32 @!p1 $0x0  }
0x14: {  	s2 =	sld [smem:$0x3F98];
	s0 =	simm.s32 @p1 $0x1  }
0x15: {  	[smem:$0x3FB5] =	sst s0;
	s0 =	simm.s32 @!p2 $0x0  }
0x16: {  	s3 =	sld [smem:$0x3FDB];
	s0 =	simm.s32 @p2 $0x1  }
0x17: {  	s4 =	simm.s32 $0x1BF5;
	[smem:$0x3FB7] =	sst s0  }
0x18: {  	s0 =	sld [smem:$0x3F9A];
	_ =	swait.ge [sflag:s4], $0x0  }
0x19: {  	s7 =	sld [smem:$0x3F9B]  }
0x1a: {  	s8 =	sadd.s32 $0xFFFFE003, lr  }
0x1b: {  	s9 =	sadd.s32 $0xFFFFFEF7, lr;
	s5 =	simm.s32 $0xFFFFFFFF;
	p2 =	slt.u32 s8, $0xFFFFF086  }
0x1c: {  	p1 =	slt.u32 s9, $0xF7A;
	s5 =	simm.s32 @!p2 $0x0  }
0x1d: {  	s5 =	simm.s32 @p1 $0x1;
	p0 =	seq.s32 s7, s2  }
0x1e: {  	s7 =	smul.u32 @!p0 $0xF7A, s2;
	p2 =	seq.s32 @!p0 s5, $0x0  }
0x1f: {  	s9 =	smul.u32 $0xF7A, s1;
	s8 =	simm.s32 @!p0 $0x1BF5;
	p2 =	por !p2, p0  }
0x20: {  	[sflag:s8] =	ssyncset.s32 @!p0 $0xFFFFF086;
	s6 =	sadd.s32 @!p0 s3, s7;
	s7 =	simm.s32 @!p0 $0x108  }
0x21: {  	s3 =	sadd.s32 s3, s9;
	s6 =	sadd.s32 @!p0 $0x88, s6;
	s7 =	simm.s32 @p2 $0x1082  }
0x22: {  	[simem:s7], [sflag:s8] =	dma.local @!p0 [hbm:s6], $0xF7A  }
0x23: {  	s9 =	sor.u32 $0xD0000000, s2;
	s6 =	simm.s32 $0x108;
	_ =	swait.ge @!p0 [sflag:s8], $0x0  }
0x24: {  	s3 =	sadd.s32 $0x88, s3;
	s6 =	simm.s32 @!p1 $0x1082;
	[sflag:s4] =	ssyncset.s32 $0xFFFFF086  }
0x25: {  	[simem:s6], [sflag:s4] =	dma.local [hbm:s3], $0xF7A  }
0x26: {  	[smem:$0x3F9B] =	sst s1;
	(tag) =	ssettag s2;
	_ =	strace s9  }
0x27: {  	s1 =	sld [smem:$0x3FAB]  }
0x28: {  	s2 =	sld [smem:$0x3FAC]  }
0x29: {  	s4 =	sld [smem:$0x3FAE]  }
0x2a: {  	p0 =	seq.s32 s5, $0x0;
	s5 =	sld [smem:$0x3FAF]  }
0x2b: {  	s6 =	sld [smem:$0x3FB0]  }
0x2c: {  	s7 =	sld [smem:$0x3FB1]  }
0x2d: {  	s3 =	simm.s32 $0x108;
	s8 =	sld [smem:$0x3FB2]  }
0x2e: {  	s3 =	simm.s32 @!p0 $0x1082;
	s9 =	sld [smem:$0x3FB3]  }
0x2f: {  	lr =	sadd.s32 s0, s3;
	s0 =	sld [smem:$0x3FAA]  }
0x30: {  	s3 =	sld [smem:$0x3FAD]  }
0x31: {  	[smem:$0x3FB6] =	sst s10  }
0x32: {  	s10 =	sld [smem:$0x3FB4];
	_ =	sdelay $0x3  }
0x33: {  	p0 =	seq.s32 s10, $0x1;
	s10 =	sld [smem:$0x3FB6];
	_ =	sdelay $0x3  }
0x34: {  	[smem:$0x3FB6] =	sst s10  }
0x35: {  	s10 =	sld [smem:$0x3FB5];
	_ =	sdelay $0x3  }
0x36: {  	p1 =	seq.s32 s10, $0x1;
	s10 =	sld [smem:$0x3FB6];
	_ =	sdelay $0x3  }
0x37: {  	[smem:$0x3FB6] =	sst s10  }
0x38: {  	s10 =	sld [smem:$0x3FB7]  }
0x39: {  	_ = 	snop;
	(pc) =	sbr.ind lr, $3  }
0x3a: {  	_ = 	snop  }
0x3b: {  	_ = 	snop  }
0x3c: {  	p2 =	seq.s32 s10, $0x1;
	s10 =	sld [smem:$0x3FB6]  }
0x3d: {  	_ =	shalt  }
0x3e: {  	_ =	shalt  }
0x3f: {  	_ =	shalt  }
0x40: {  	_ =	shalt  }
0x41: {  	_ =	shalt  }
0x42: {  	_ =	shalt  }
0x43: {  	_ =	shalt  }
0x44: {  	_ =	shalt  }
0x45: {  	_ =	shalt  }
0x46: {  	_ =	shalt  }
0x47: {  	_ =	shalt  }
0x48: {  	_ =	shalt  }
0x49: {  	_ =	shalt  }
0x4a: {  	_ =	shalt  }
0x4b: {  	_ =	shalt  }
0x4c: {  	_ =	shalt  }
0x4d: {  	_ =	shalt  }
0x4e: {  	_ =	shalt  }
0x4f: {  	_ =	shalt  }
0x50: {  	_ =	shalt  }
0x51: {  	_ =	shalt  }
0x52: {  	_ =	shalt  }
0x53: {  	_ =	shalt  }
0x54: {  	_ =	shalt  }
0x55: {  	_ =	shalt  }
0x56: {  	_ =	shalt  }
0x57: {  	_ =	shalt  }
0x58: {  	_ =	shalt  }
0x59: {  	_ =	shalt  }
0x5a: {  	_ =	shalt  }
0x5b: {  	_ =	shalt  }
0x5c: {  	_ =	shalt  }
0x5d: {  	_ =	shalt  }
0x5e: {  	_ =	shalt  }
0x5f: {  	_ =	shalt  }
0x60: {  	_ =	shalt  }
0x61: {  	_ =	shalt  }
0x62: {  	_ =	shalt  }
0x63: {  	_ =	shalt  }
0x64: {  	_ =	shalt  }
0x65: {  	_ =	shalt  }
0x66: {  	_ =	shalt  }
0x67: {  	_ =	shalt  }
0x68: {  	_ =	shalt  }
0x69: {  	_ =	shalt  }
0x6a: {  	_ =	shalt  }
0x6b: {  	_ =	shalt  }
0x6c: {  	_ =	shalt  }
0x6d: {  	_ =	shalt  }
0x6e: {  	_ =	shalt  }
0x6f: {  	_ =	shalt  }
0x70: {  	_ =	shalt  }
0x71: {  	_ =	shalt  }
0x72: {  	_ =	shalt  }
0x73: {  	_ =	shalt  }
0x74: {  	_ =	shalt  }
0x75: {  	_ =	shalt  }
0x76: {  	_ =	shalt  }
0x77: {  	_ =	shalt  }
0x78: {  	_ =	shalt  }
0x79: {  	_ =	shalt  }
0x7a: {  	_ =	shalt  }
0x7b: {  	_ =	shalt  }
0x7c: {  	_ =	shalt  }
0x7d: {  	_ =	shalt  }
0x7e: {  	_ =	shalt  }
0x7f: {  	_ =	shalt  }
0x80: {  	_ =	shalt  }
0x81: {  	_ =	shalt  }
0x82: {  	_ =	shalt  }
0x83: {  	_ =	shalt  }
0x84: {  	_ =	shalt  }
0x85: {  	_ =	shalt  }
0x86: {  	_ =	shalt  }
0x87: {  	_ =	shalt  }
.Lfunc_end0:
.L_simem_size_0:
called_computation.1_lowered:
.L_overlay_start_0:
0x88: {  	s2 =	sld [smem:$0x3FD9]  }
0x89: {  	s3 =	sld [smem:$0x3FFE];
	_ =	sdelay $0x1  }
0x8a: {  	s1 =	srdreg.scid  }
0x8b: {  	s0 =	sand.u32 $0x1, s1  }
0x8c: {  	s17 =	sshll.u32 s0, $0xA;
	s2 =	sadd.s32 s3, s2  }
0x8d: {  	s2 =	sadd.s32 s2, s17  }
0x8e: {  	[smem:$0x3FC2] =	sst s2  }
0x8f: {  	_ = 	snop  }
0x90: {  	s2 =	sld [smem:$0x3FD0];
	(tm) =	ssettm $0x1  }
0x91: {  	s18 =	sld [smem:$0x3FFB];
	_ =	sdelay $0x3  }
0x92: {  	_ =	strace s18  }
0x93: {  	s3 =	sld [smem:$0x3FFC];
	_ =	sdelay $0x3  }
0x94: {  	_ =	strace s3  }
0x95: {  	s3 =	sld [smem:$0x3FFD];
	_ =	sdelay $0x3  }
0x96: {  	_ =	strace s3  }
0x97: {  	_ =	strace $0x8FFFFFFF  }
0x98: {  	s19 =	sld [smem:$0x3FDB];
	_ =	sdelay $0x1  }
0x99: {  	s4 =	simm.s32 $_scs_section_size  }
0x9a: {  	s5 =	simm.s32 $_size__tile_overlayer_lowered;
	s6 =	simm.s32 $_tile_overlayer_lowered  }
0x9b: {  	s22 =	simm.s32 $0x1BFF;
	s21 =	sshll.u32 s6, $0x1;
	s3 =	sadd.s32 s4, s19  }
0x9c: {  	s7 =	simm.s32 $0x0;
	s20 =	sshll.u32 s5, $0x1;
	s5 =	sadd.s32 s21, s3  }
0x9d: {  	[timem:s7], [sflag:s22] =	dma.local [hbm:s5], s20  }
0x9e: {  	_ =	swait.ge [sflag:s22], s20  }
0x9f: {  	s4 =	ssub.s32 $0x0, s20;
	[sflag:s22] =	ssyncset.done $0x0  }
0xa0: {  	[sflag:s22] =	ssyncadd.s32 s4;
	_ =	sdelay $0x1  }
0xa1: {  	s23 =	simm.s32 $0x1B8B  }
0xa2: {  	_ =	swait.ge [sflag:s23], $0x1  }
0xa3: {  	[sflag:s23] =	ssyncset.done $0x0  }
0xa4: {  	s25 =	simm.s32 $0x1B8E;
	s24 =	sld [smem:$0x3FFE];
	[sflag:s23] =	ssyncadd.s32 $0xFFFFFFFF  }
0xa5: {  	s26 =	simm.s32 $execute0_lowered;
	[smem:$0x3FD2] =	sst s25  }
0xa6: {  	s5 =	sshll.u32 s26, $0x1;
	_ =	strace $0x80000049;
	[dreg:$0x1] =	wrdreg $0xFFFFFFFF  }
0xa7: {  	s28 =	simm.s32 $_size_execute0_lowered;
	s3 =	sadd.s32 s3, s5;
	[dreg:$0x0] =	wrdreg $0x0  }
0xa8: {  	s5 =	sshll.u32 s28, $0x1;
	[dreg:$0x2] =	wrdreg s3  }
0xa9: {  	[dreg:$0x3] =	wrdreg s5  }
0xaa: {  	[dreg:$0x4] =	wrdreg $0xC0  }
0xab: {  	_ =	task [dreg:s7], $0x5FFFF  }
0xac: {  	[dreg:$0x1] =	wrdreg $0xFFFFFFFF  }
0xad: {  	[dreg:$0x0] =	wrdreg $0x60  }
0xae: {  	[dreg:$0x2] =	wrdreg s24  }
0xaf: {  	[dreg:$0x3] =	wrdreg s2  }
0xb0: {  	[dreg:$0x4] =	wrdreg $0xBF000  }
0xb1: {  	[dreg:$0x5] =	wrdreg $0x9  }
0xb2: {  	_ =	task.clear_ibuf [dreg:s7], $0x6FFFF;
	_ =	strace $0x90000049  }
0xb3: {  	s29 =	simm.s32 $0x9;
	_ =	strace $0x8000004B  }
0xb4: {  	_ =	swait.ge [sflag:s29], $0x1  }
0xb5: {  	[sflag:s29] =	ssyncadd.s32 $0xFFFFFFFF  }
0xb6: {  	_ =	strace $0x9000004B  }
0xb7: {  	_ =	sfence  }
0xb8: {  	s30 =	sld [smem:$0x0];
	_ =	sdelay $0x2  }
0xb9: {  	s31 =	sshll.u32 s1, $0xD;
	s1 =	sshrl.u32 s1, $0x2  }
0xba: {  	s3 =	sand.u32 $0x4000, s31;
	s1 =	sadd.s32 s1, s30  }
0xbb: {  	s0 =	sor.u32 s3, s0;
	s1 =	sshll.u32 s1, $0x11  }
0xbc: {  	s0 =	sor.u32 s1, s0  }
0xbd: {  	s0 =	sadd.s32 $0x8F2B, s0  }
0xbe: {  	[sflag:s0] =	ssyncadd.remote.s32 $0x1  }
0xbf: {  	_ =	sfence.sel $0xFFFF  }
0xc0: {  	[dreg:$0x0] =	wrdreg $0xFFFFFFFF;
	(pc) =	sbr.abs _section_cstart, $3  }
0xc1: {  	[dreg:$0x1] =	wrdreg $0xFFFFFFFF  }
0xc2: {  	_ =	task.clear_ibuf [dreg:s7], $0x2FFFF;
	_ =	strace $0x9FFFFFFF  }
0xc3: {  	(tm) =	ssettm $0x7FFFFFFF  }
tec
execute0_lowered:
.L_overlay_start_1:
0x0: {  	(tag) =	ssettag $0x1  }
0x1: {  	s6 =	rddreg [dreg:$0x0]  }
0x2: {  	s1 =	srdreg.scid;
	s2 =	rddreg [dreg:$0x1]  }
0x3: {  	s0 =	stileid.u32;
	s3 =	rddreg [dreg:$0x2]  }
0x4: {  	s4 =	simm.s32 $0x0;
	s12 =	simm.s32 $0x2;
	s13 =	simm.s32 $0x80  }
0x5: {  	s14 =	simm.s32 $0x100;
	s15 =	simm.s32 $0x1;
	s8 =	smul.u32 $0x4F00, s0  }
0x6: {  	s7 =	sand.u32 $0x1, s1;
	s1 =	rddreg [dreg:$0x3];
	s10 =	smul.u32 $0x9E00, s0  }
0x7: {  	s18 =	simm.s32 $0x0;
	[smem:$0x7FF] =	sst s4;
	s9 =	smul.u32 $0x2780, s7  }
0x8: {  	s5 =	sadd.s32 $0x6DE00, s6;
	s16 =	sshll.u32 s0, $0x6;
	s11 =	smul.u32 $0x9E000, s7  }
0x9: {  	_ =	strace $0x8000004A;
	s7 =	ssub.s32 $0x2, s7;
	s16 =	sor.u32 $0x1C02, s16  }
0xa: {  	s30 =	sshrl.u32 s7, $0x1;
	s8 =	sadd.s32 s9, s8;
	s26 =	sadd.s32 s10, s11  }
0xb: {  	s31 =	ssub.s32 s7, s30;
	s8 =	sshrl.u32 s8, $0x3;
	s9 =	sshrl.u32 s26, $0x3  }
0xc: {  	s11 =	simm.s32 $0x2100;
	s28 =	sadd.s32 s8, s6;
	s29 =	sadd.s32 s9, s6  }
0xd: {  	s6 =	sadd.s32 s10, s3;
	s8 =	smax.u32 s31, $0x1;
	s7 =	sadd.s32 $0x81800, s29  }
0xe: {  	s9 =	sadd.s32 $0x15C00, s28;
	s10 =	sadd.s32 $0x1A00, s28;
	s17 =	sshrl.u32 s6, $0x3  }
.LBB2_1:
0xf: {  	[tilespmem:s11], [sflag:$0x2] =	stream.linear.gather [hbm4b:s2+s4], $0x9E00, $0x38;
	[tilespmem:$0x15D00] =	vst v63  }
0x10: {  	_ =	swait.ge [sflag:s12], $0x9E00  }
0x11: {  	[sflag:s12] =	ssyncset.done $0x0  }
0x12: {  	[sflag:s12] =	ssyncadd.s32 $0xFFFF6200  }
0x13: {  	[spmem:s6] =	stream.linear.scatter [tilespmem:s11], [sflag:$0x2], $0x9E00, $0x38;
	[tilespmem:$0x15D00] =	vst v63  }
0x14: {  	_ =	swait.ge [sflag:s12], $0x9E00  }
0x15: {  	[sflag:s12] =	ssyncset.done $0x0  }
0x16: {  	[sflag:s12] =	ssyncadd.s32 $0xFFFF6200  }
0x17: {  	s19 =	sadd.s32 $0x0, s10;
	[bflag:$0x0] =	sbarrier.arrive $0xFFFF  }
0x18: {  	[tilespmem:s13], [sflag:$0x2] =	stream.linear.gather [hbm4b:s19+s4], $0x80, $0x38;
	[tilespmem:$0x15D00] =	vst v63  }
0x19: {  	_ =	swait.ge [sflag:s12], $0x80  }
0x1a: {  	[sflag:s12] =	ssyncset.done $0x0  }
0x1b: {  	s31 =	sadd.s32 $0x0, s9;
	[sflag:s12] =	ssyncadd.s32 $0xFFFFFF80  }
0x1c: {  	[tilespmem:s4], [sflag:$0x2] =	stream.linear.gather [hbm4b:s31+s4], $0x80, $0x38;
	[tilespmem:$0x15D00] =	vst v63  }
0x1d: {  	_ =	swait.ge [sflag:s12], $0x80  }
0x1e: {  	[sflag:s12] =	ssyncset.done $0x0  }
0x1f: {  	[sflag:s12] =	ssyncadd.s32 $0xFFFFFF80  }
0x20: {  	[tilespmem:s14], [sflag:$0x1] =	stream.indirect.gather [hbm4b:s5+s13], $0x40, s4, s13, $0xb8;
	[tilespmem:$0x15D00] =	vst v63  }
0x21: {  	_ =	swait.ge [sflag:s15], $0x2000  }
0x22: {  	[sflag:s15] =	ssyncset.done $0x0  }
0x23: {  	[sflag:s15] =	ssyncadd.s32 $0xFFFFE000  }
0x24: {  	[spmem:s3] =	stream.indirect.scatter.add.f32 [tilespmem:s14], [sflag:$0x2], $0x40, s13, s13, $0xb8;
	[tilespmem:$0x15D00] =	vst v63  }
0x25: {  	_ =	swait.ge [sflag:s12], $0x2000  }
0x26: {  	s20 =	simm.s32 $0x20;
	s19 =	simm.s32 $0x10;
	[sflag:s12] =	ssyncset.done $0x0  }
.LBB2_2:
0x27: {  	s21 =	sadd.s32 s19, s10  }
0x28: {  	[sflag:s12] =	ssyncadd.s32 $0xFFFFE000;
	s22 =	smov.u32 s20;
	s23 =	sadd.s32 $0x10, s20  }
0x29: {  	[tilespmem:s13], [sflag:$0x2] =	stream.linear.gather [hbm4b:s21+s4], $0x80, $0x38;
	[tilespmem:$0x15D00] =	vst v63  }
0x2a: {  	p0 =	sne.s32 s20, $0x4E0;
	_ =	swait.ge [sflag:s12], $0x80  }
0x2b: {  	[sflag:s12] =	ssyncset.done $0x0  }
0x2c: {  	s20 =	sadd.s32 s19, s9;
	s19 =	smov.u32 s22;
	[sflag:s12] =	ssyncadd.s32 $0xFFFFFF80  }
0x2d: {  	[tilespmem:s4], [sflag:$0x2] =	stream.linear.gather [hbm4b:s20+s4], $0x80, $0x38;
	[tilespmem:$0x15D00] =	vst v63  }
0x2e: {  	_ =	swait.ge [sflag:s12], $0x80  }
0x2f: {  	[sflag:s12] =	ssyncset.done $0x0  }
0x30: {  	[sflag:s12] =	ssyncadd.s32 $0xFFFFFF80  }
0x31: {  	[tilespmem:s14], [sflag:$0x1] =	stream.indirect.gather [hbm4b:s5+s13], $0x40, s4, s13, $0xb8;
	[tilespmem:$0x15D00] =	vst v63  }
0x32: {  	_ =	swait.ge [sflag:s15], $0x2000  }
.Ltmp0:
0x33: {  	[sflag:s15] =	ssyncset.done $0x0;
	(pc) =	sbr.rel @p0 .LBB2_2-.Ltmp0, $4  }
0x34: {  	[sflag:s15] =	ssyncadd.s32 $0xFFFFE000  }
0x35: {  	[spmem:s3] =	stream.indirect.scatter.add.f32 [tilespmem:s14], [sflag:$0x2], $0x40, s13, s13, $0xb8;
	[tilespmem:$0x15D00] =	vst v63  }
0x36: {  	_ =	swait.ge [sflag:s12], $0x2000  }
0x37: {  	s20 =	smov.u32 s23;
	[sflag:s12] =	ssyncset.done $0x0  }
0x38: {  	s20 =	sadd.s32 s19, s10;
	[sflag:s12] =	ssyncadd.s32 $0xFFFFE000  }
0x39: {  	[tilespmem:s13], [sflag:$0x2] =	stream.linear.gather [hbm4b:s20+s4], $0x80, $0x38;
	[tilespmem:$0x15D00] =	vst v63  }
0x3a: {  	_ =	swait.ge [sflag:s12], $0x80  }
0x3b: {  	[sflag:s12] =	ssyncset.done $0x0  }
0x3c: {  	s31 =	sadd.s32 s19, s9;
	[sflag:s12] =	ssyncadd.s32 $0xFFFFFF80  }
0x3d: {  	[tilespmem:s4], [sflag:$0x2] =	stream.linear.gather [hbm4b:s31+s4], $0x80, $0x38;
	[tilespmem:$0x15D00] =	vst v63  }
0x3e: {  	_ =	swait.ge [sflag:s12], $0x80  }
0x3f: {  	[sflag:s12] =	ssyncset.done $0x0  }
0x40: {  	[sflag:s12] =	ssyncadd.s32 $0xFFFFFF80  }
0x41: {  	[tilespmem:s14], [sflag:$0x1] =	stream.indirect.gather [hbm4b:s5+s13], $0x40, s4, s13, $0xb8;
	[tilespmem:$0x15D00] =	vst v63  }
0x42: {  	_ =	swait.ge [sflag:s15], $0x2000  }
0x43: {  	[sflag:s15] =	ssyncset.done $0x0  }
0x44: {  	[sflag:s15] =	ssyncadd.s32 $0xFFFFE000  }
0x45: {  	[spmem:s3] =	stream.indirect.scatter.add.f32 [tilespmem:s14], [sflag:$0x2], $0x40, s13, s13, $0xb8;
	[tilespmem:$0x15D00] =	vst v63  }
0x46: {  	_ =	swait.ge [sflag:s12], $0x2000  }
0x47: {  	s18 =	sadd.s32 $0x1, s18;
	[sflag:s12] =	ssyncset.done $0x0  }
0x48: {  	p0 =	sne.s32 s18, s8;
	[sflag:s12] =	ssyncadd.s32 $0xFFFFE000  }
.Ltmp1:
0x49: {  	[bflag:$0x0] =	sbarrier.arrive $0xFFFF;
	(pc) =	sbr.rel @p0 .LBB2_1-.Ltmp1, $4  }
0x4a: {  	[hbm:s7], [sflag:s16] =	dma.local [spmem:s17], $0x13C0  }
0x4b: {  	_ =	swait.ge [sflag:s12], $0x13C0  }
0x4c: {  	[sflag:s12] =	ssyncset.done $0x0  }
0x4d: {  	[sflag:s12] =	ssyncadd.s32 $0xFFFFEC40  }
0x4e: {  	_ =	sfence.sel $0x180000  }
0x4f: {  	[bflag:$0x0] =	sbarrier.arrive $0xFFFF  }
0x50: {  	p0 =	sne.s32 s0, $0x0;
	_ =	strace $0x9000004A  }
0x51: {  	s0 =	sadd.s32 @!p0 $0x100000, s1;
	[bflag:$0x2] =	sbarrier.arrive $0xFFFF  }
0x52: {  	[sflag:s0] =	ssyncadd.tile.s32 @!p0 $0x1;
	_ =	shalt  }
.Lfunc_end2:
_tile_overlayer_lowered:
.L_overlay_start_2:
0x53: {  	(tag) =	ssettag $0x2  }
0x54: {  	s0 =	rddreg [dreg:$0x0];
	s2 =	stileid.u32  }
0x55: {  	s1 =	rddreg [dreg:$0x1];
	p0 =	sne.s32 s2, $0x0  }
0x56: {  	s3 =	rddreg [dreg:$0x2];
	[bflag:$0x3] =	sbarrier.arrive $0xFFFF;
	s2 =	simm.s32 @!p0 $0x1C02  }
0x57: {  	[timem:s3], [sflag:s2] =	dma.local @!p0 [hbm:s0], s1  }
0x58: {  	s0 =	simm.s32 @!p0 $0x2  }
0x59: {  	_ =	swait.ge @!p0 [sflag:s0], s1  }
0x5a: {  	s1 =	ssub.s32 @!p0 $0x0, s1;
	[sflag:s0] =	ssyncset.done @!p0 $0x0  }
0x5b: {  	[sflag:s0] =	ssyncadd.s32 @!p0 s1  }
0x5c: {  	[bflag:$0x3] =	sbarrier.arrive $0xFFFF  }
0x5d: {  	_ =	shalt  }

// kernel: kernel.14.cloned.1.call-start
scs
__scs_entry_jumppad:
0x0: {  	(pc) =	sbr.rel $0x88, $3  }
0x1: {  	(tag) =	ssettag $0x0;
	lr =	simm.s32 $0x1  }
0x2: {  	[smem:$0x3F9B] =	sst lr;
	_ =	strace $0xD0000000  }
0x3: {  	_ = 	snop  }
0x4: {  	_ = 	snop  }
0x5: {  	_ = 	snop  }
0x6: {  	_ = 	snop  }
0x7: {  	_ = 	snop  }
__scs_overlays_trampoline_lowered:
0x8: {  	[smem:$0x3FAA] =	sst s0  }
0x9: {  	[smem:$0x3FAB] =	sst s1  }
0xa: {  	[smem:$0x3FAC] =	sst s2  }
0xb: {  	[smem:$0x3FAD] =	sst s3  }
0xc: {  	[smem:$0x3FAE] =	sst s4  }
0xd: {  	[smem:$0x3FAF] =	sst s5  }
0xe: {  	[smem:$0x3FB0] =	sst s6  }
0xf: {  	[smem:$0x3FB1] =	sst s7  }
0x10: {  	[smem:$0x3FB2] =	sst s8  }
0x11: {  	[smem:$0x3FB3] =	sst s9;
	s0 =	simm.s32 @!p0 $0x0  }
0x12: {  	s1 =	sld [smem:$0x3F99];
	s0 =	simm.s32 @p0 $0x1  }
0x13: {  	[smem:$0x3FB4] =	sst s0;
	s0 =	simm.s32 @!p1 $0x0  }
0x14: {  	s2 =	sld [smem:$0x3F98];
	s0 =	simm.s32 @p1 $0x1  }
0x15: {  	[smem:$0x3FB5] =	sst s0;
	s0 =	simm.s32 @!p2 $0x0  }
0x16: {  	s3 =	sld [smem:$0x3FDB];
	s0 =	simm.s32 @p2 $0x1  }
0x17: {  	s4 =	simm.s32 $0x1BF5;
	[smem:$0x3FB7] =	sst s0  }
0x18: {  	s0 =	sld [smem:$0x3F9A];
	_ =	swait.ge [sflag:s4], $0x0  }
0x19: {  	s7 =	sld [smem:$0x3F9B]  }
0x1a: {  	s8 =	sadd.s32 $0xFFFFE003, lr  }
0x1b: {  	s9 =	sadd.s32 $0xFFFFFEF7, lr;
	s5 =	simm.s32 $0xFFFFFFFF;
	p2 =	slt.u32 s8, $0xFFFFF086  }
0x1c: {  	p1 =	slt.u32 s9, $0xF7A;
	s5 =	simm.s32 @!p2 $0x0  }
0x1d: {  	s5 =	simm.s32 @p1 $0x1;
	p0 =	seq.s32 s7, s2  }
0x1e: {  	s7 =	smul.u32 @!p0 $0xF7A, s2;
	p2 =	seq.s32 @!p0 s5, $0x0  }
0x1f: {  	s9 =	smul.u32 $0xF7A, s1;
	s8 =	simm.s32 @!p0 $0x1BF5;
	p2 =	por !p2, p0  }
0x20: {  	[sflag:s8] =	ssyncset.s32 @!p0 $0xFFFFF086;
	s6 =	sadd.s32 @!p0 s3, s7;
	s7 =	simm.s32 @!p0 $0x108  }
0x21: {  	s3 =	sadd.s32 s3, s9;
	s6 =	sadd.s32 @!p0 $0x88, s6;
	s7 =	simm.s32 @p2 $0x1082  }
0x22: {  	[simem:s7], [sflag:s8] =	dma.local @!p0 [hbm:s6], $0xF7A  }
0x23: {  	s9 =	sor.u32 $0xD0000000, s2;
	s6 =	simm.s32 $0x108;
	_ =	swait.ge @!p0 [sflag:s8], $0x0  }
0x24: {  	s3 =	sadd.s32 $0x88, s3;
	s6 =	simm.s32 @!p1 $0x1082;
	[sflag:s4] =	ssyncset.s32 $0xFFFFF086  }
0x25: {  	[simem:s6], [sflag:s4] =	dma.local [hbm:s3], $0xF7A  }
0x26: {  	[smem:$0x3F9B] =	sst s1;
	(tag) =	ssettag s2;
	_ =	strace s9  }
0x27: {  	s1 =	sld [smem:$0x3FAB]  }
0x28: {  	s2 =	sld [smem:$0x3FAC]  }
0x29: {  	s4 =	sld [smem:$0x3FAE]  }
0x2a: {  	p0 =	seq.s32 s5, $0x0;
	s5 =	sld [smem:$0x3FAF]  }
0x2b: {  	s6 =	sld [smem:$0x3FB0]  }
0x2c: {  	s7 =	sld [smem:$0x3FB1]  }
0x2d: {  	s3 =	simm.s32 $0x108;
	s8 =	sld [smem:$0x3FB2]  }
0x2e: {  	s3 =	simm.s32 @!p0 $0x1082;
	s9 =	sld [smem:$0x3FB3]  }
0x2f: {  	lr =	sadd.s32 s0, s3;
	s0 =	sld [smem:$0x3FAA]  }
0x30: {  	s3 =	sld [smem:$0x3FAD]  }
0x31: {  	[smem:$0x3FB6] =	sst s10  }
0x32: {  	s10 =	sld [smem:$0x3FB4];
	_ =	sdelay $0x3  }
0x33: {  	p0 =	seq.s32 s10, $0x1;
	s10 =	sld [smem:$0x3FB6];
	_ =	sdelay $0x3  }
0x34: {  	[smem:$0x3FB6] =	sst s10  }
0x35: {  	s10 =	sld [smem:$0x3FB5];
	_ =	sdelay $0x3  }
0x36: {  	p1 =	seq.s32 s10, $0x1;
	s10 =	sld [smem:$0x3FB6];
	_ =	sdelay $0x3  }
0x37: {  	[smem:$0x3FB6] =	sst s10  }
0x38: {  	s10 =	sld [smem:$0x3FB7]  }
0x39: {  	_ = 	snop;
	(pc) =	sbr.ind lr, $3  }
0x3a: {  	_ = 	snop  }
0x3b: {  	_ = 	snop  }
0x3c: {  	p2 =	seq.s32 s10, $0x1;
	s10 =	sld [smem:$0x3FB6]  }
0x3d: {  	_ =	shalt  }
0x3e: {  	_ =	shalt  }
0x3f: {  	_ =	shalt  }
0x40: {  	_ =	shalt  }
0x41: {  	_ =	shalt  }
0x42: {  	_ =	shalt  }
0x43: {  	_ =	shalt  }
0x44: {  	_ =	shalt  }
0x45: {  	_ =	shalt  }
0x46: {  	_ =	shalt  }
0x47: {  	_ =	shalt  }
0x48: {  	_ =	shalt  }
0x49: {  	_ =	shalt  }
0x4a: {  	_ =	shalt  }
0x4b: {  	_ =	shalt  }
0x4c: {  	_ =	shalt  }
0x4d: {  	_ =	shalt  }
0x4e: {  	_ =	shalt  }
0x4f: {  	_ =	shalt  }
0x50: {  	_ =	shalt  }
0x51: {  	_ =	shalt  }
0x52: {  	_ =	shalt  }
0x53: {  	_ =	shalt  }
0x54: {  	_ =	shalt  }
0x55: {  	_ =	shalt  }
0x56: {  	_ =	shalt  }
0x57: {  	_ =	shalt  }
0x58: {  	_ =	shalt  }
0x59: {  	_ =	shalt  }
0x5a: {  	_ =	shalt  }
0x5b: {  	_ =	shalt  }
0x5c: {  	_ =	shalt  }
0x5d: {  	_ =	shalt  }
0x5e: {  	_ =	shalt  }
0x5f: {  	_ =	shalt  }
0x60: {  	_ =	shalt  }
0x61: {  	_ =	shalt  }
0x62: {  	_ =	shalt  }
0x63: {  	_ =	shalt  }
0x64: {  	_ =	shalt  }
0x65: {  	_ =	shalt  }
0x66: {  	_ =	shalt  }
0x67: {  	_ =	shalt  }
0x68: {  	_ =	shalt  }
0x69: {  	_ =	shalt  }
0x6a: {  	_ =	shalt  }
0x6b: {  	_ =	shalt  }
0x6c: {  	_ =	shalt  }
0x6d: {  	_ =	shalt  }
0x6e: {  	_ =	shalt  }
0x6f: {  	_ =	shalt  }
0x70: {  	_ =	shalt  }
0x71: {  	_ =	shalt  }
0x72: {  	_ =	shalt  }
0x73: {  	_ =	shalt  }
0x74: {  	_ =	shalt  }
0x75: {  	_ =	shalt  }
0x76: {  	_ =	shalt  }
0x77: {  	_ =	shalt  }
0x78: {  	_ =	shalt  }
0x79: {  	_ =	shalt  }
0x7a: {  	_ =	shalt  }
0x7b: {  	_ =	shalt  }
0x7c: {  	_ =	shalt  }
0x7d: {  	_ =	shalt  }
0x7e: {  	_ =	shalt  }
0x7f: {  	_ =	shalt  }
0x80: {  	_ =	shalt  }
0x81: {  	_ =	shalt  }
0x82: {  	_ =	shalt  }
0x83: {  	_ =	shalt  }
0x84: {  	_ =	shalt  }
0x85: {  	_ =	shalt  }
0x86: {  	_ =	shalt  }
0x87: {  	_ =	shalt  }
.Lfunc_end0:
.L_simem_size_0:
called_computation.2_lowered:
.L_overlay_start_0:
0x88: {  	s2 =	sld [smem:$0x3FD9]  }
0x89: {  	s3 =	sld [smem:$0x3FFE];
	_ =	sdelay $0x1  }
0x8a: {  	s1 =	srdreg.scid  }
0x8b: {  	s0 =	sand.u32 $0x1, s1  }
0x8c: {  	s17 =	sshll.u32 s0, $0xA;
	s2 =	sadd.s32 s3, s2  }
0x8d: {  	s2 =	sadd.s32 s2, s17  }
0x8e: {  	[smem:$0x3FC2] =	sst s2  }
0x8f: {  	_ = 	snop  }
0x90: {  	s2 =	sld [smem:$0x3FD0];
	(tm) =	ssettm $0x1  }
0x91: {  	s18 =	sld [smem:$0x3FFB];
	_ =	sdelay $0x3  }
0x92: {  	_ =	strace s18  }
0x93: {  	s3 =	sld [smem:$0x3FFC];
	_ =	sdelay $0x3  }
0x94: {  	_ =	strace s3  }
0x95: {  	s3 =	sld [smem:$0x3FFD];
	_ =	sdelay $0x3  }
0x96: {  	_ =	strace s3  }
0x97: {  	_ =	strace $0x8FFFFFFF  }
0x98: {  	s19 =	sld [smem:$0x3FDB];
	_ =	sdelay $0x1  }
0x99: {  	s4 =	simm.s32 $_scs_section_size  }
0x9a: {  	s5 =	simm.s32 $_size__tile_overlayer_lowered;
	s6 =	simm.s32 $_tile_overlayer_lowered  }
0x9b: {  	s22 =	simm.s32 $0x1BFF;
	s21 =	sshll.u32 s6, $0x1;
	s3 =	sadd.s32 s4, s19  }
0x9c: {  	s7 =	simm.s32 $0x0;
	s20 =	sshll.u32 s5, $0x1;
	s5 =	sadd.s32 s21, s3  }
0x9d: {  	[timem:s7], [sflag:s22] =	dma.local [hbm:s5], s20  }
0x9e: {  	_ =	swait.ge [sflag:s22], s20  }
0x9f: {  	s4 =	ssub.s32 $0x0, s20;
	[sflag:s22] =	ssyncset.done $0x0  }
0xa0: {  	[sflag:s22] =	ssyncadd.s32 s4;
	_ =	sdelay $0x1  }
0xa1: {  	s23 =	simm.s32 $0x1B8B  }
0xa2: {  	_ =	swait.ge [sflag:s23], $0x1  }
0xa3: {  	[sflag:s23] =	ssyncset.done $0x0  }
0xa4: {  	s25 =	simm.s32 $0x1B8E;
	s24 =	sld [smem:$0x3FFE];
	[sflag:s23] =	ssyncadd.s32 $0xFFFFFFFF  }
0xa5: {  	s26 =	simm.s32 $execute0_lowered;
	[smem:$0x3FD2] =	sst s25  }
0xa6: {  	s5 =	sshll.u32 s26, $0x1;
	_ =	strace $0x8000004C;
	[dreg:$0x1] =	wrdreg $0xFFFFFFFF  }
0xa7: {  	s28 =	simm.s32 $_size_execute0_lowered;
	s3 =	sadd.s32 s3, s5;
	[dreg:$0x0] =	wrdreg $0x0  }
0xa8: {  	s5 =	sshll.u32 s28, $0x1;
	[dreg:$0x2] =	wrdreg s3  }
0xa9: {  	[dreg:$0x3] =	wrdreg s5  }
0xaa: {  	[dreg:$0x4] =	wrdreg $0xC0  }
0xab: {  	_ =	task [dreg:s7], $0x5FFFF  }
0xac: {  	[dreg:$0x1] =	wrdreg $0xFFFFFFFF  }
0xad: {  	[dreg:$0x0] =	wrdreg $0x60  }
0xae: {  	[dreg:$0x2] =	wrdreg s2  }
0xaf: {  	[dreg:$0x3] =	wrdreg s24  }
0xb0: {  	[dreg:$0x4] =	wrdreg $0x30800  }
0xb1: {  	[dreg:$0x5] =	wrdreg $0x9  }
0xb2: {  	_ =	task.clear_ibuf [dreg:s7], $0x6FFFF;
	_ =	strace $0x9000004C  }
0xb3: {  	s29 =	simm.s32 $0x9;
	_ =	strace $0x8000004E  }
0xb4: {  	_ =	swait.ge [sflag:s29], $0x1  }
0xb5: {  	[sflag:s29] =	ssyncadd.s32 $0xFFFFFFFF  }
0xb6: {  	_ =	strace $0x9000004E  }
0xb7: {  	_ =	sfence  }
0xb8: {  	s30 =	sld [smem:$0x0];
	_ =	sdelay $0x2  }
0xb9: {  	s31 =	sshll.u32 s1, $0xD;
	s1 =	sshrl.u32 s1, $0x2  }
0xba: {  	s3 =	sand.u32 $0x4000, s31;
	s1 =	sadd.s32 s1, s30  }
0xbb: {  	s0 =	sor.u32 s3, s0;
	s1 =	sshll.u32 s1, $0x11  }
0xbc: {  	s0 =	sor.u32 s1, s0  }
0xbd: {  	s0 =	sadd.s32 $0x8F2B, s0  }
0xbe: {  	[sflag:s0] =	ssyncadd.remote.s32 $0x1  }
0xbf: {  	_ =	sfence.sel $0xFFFF  }
0xc0: {  	[dreg:$0x0] =	wrdreg $0xFFFFFFFF;
	(pc) =	sbr.abs _section_cstart, $3  }
0xc1: {  	[dreg:$0x1] =	wrdreg $0xFFFFFFFF  }
0xc2: {  	_ =	task.clear_ibuf [dreg:s7], $0x2FFFF;
	_ =	strace $0x9FFFFFFF  }
0xc3: {  	(tm) =	ssettm $0x7FFFFFFF  }
tec
execute0_lowered:
.L_overlay_start_1:
0x0: {  	(tag) =	ssettag $0x1  }
0x1: {  	s1 =	rddreg [dreg:$0x0]  }
0x2: {  	s2 =	srdreg.scid;
	s7 =	rddreg [dreg:$0x1]  }
0x3: {  	s0 =	stileid.u32;
	s3 =	rddreg [dreg:$0x2]  }
0x4: {  	s4 =	simm.s32 $0x0;
	s11 =	simm.s32 $0x900;
	s12 =	simm.s32 $0x2  }
0x5: {  	s13 =	simm.s32 $0x80;
	s14 =	simm.s32 $0x100;
	s6 =	smul.u32 $0x4F00, s0  }
0x6: {  	s15 =	simm.s32 $0x1;
	s5 =	sand.u32 $0x1, s2;
	s9 =	smul.u32 $0x2780, s0  }
0x7: {  	s18 =	simm.s32 $0x0;
	s2 =	rddreg [dreg:$0x3];
	s8 =	smul.u32 $0x2780, s5  }
0x8: {  	[smem:$0x7FF] =	sst s4;
	s16 =	sshll.u32 s0, $0x6;
	s10 =	smul.u32 $0x27800, s5  }
0x9: {  	_ =	strace $0x8000004D;
	s30 =	ssub.s32 $0x2, s5;
	s5 =	sadd.s32 $0xB800, s7  }
0xa: {  	s16 =	sor.u32 $0x1C02, s16;
	s6 =	sadd.s32 s8, s6;
	s26 =	sadd.s32 s9, s10  }
0xb: {  	s31 =	sshrl.u32 s30, $0x1;
	s6 =	sshrl.u32 s6, $0x3;
	s29 =	sshrl.u32 s26, $0x3  }
0xc: {  	s8 =	ssub.s32 s30, s31;
	s28 =	sadd.s32 s6, s7;
	s7 =	sadd.s32 s29, s7  }
0xd: {  	s8 =	smax.u32 s8, $0x1;
	s6 =	sadd.s32 s9, s3;
	s7 =	sadd.s32 $0xBE00, s7  }
0xe: {  	s9 =	sadd.s32 $0x15C00, s28;
	s10 =	sadd.s32 $0x1A00, s28;
	s17 =	sshrl.u32 s6, $0x3  }
.LBB2_1:
0xf: {  	[tilespmem:s11], [sflag:$0x2] =	stream.linear.gather [hbm4b:s5+s4], $0x2780, $0x38;
	[tilespmem:$0x5800] =	vst v63  }
0x10: {  	_ =	swait.ge [sflag:s12], $0x2780  }
0x11: {  	[sflag:s12] =	ssyncset.done $0x0  }
0x12: {  	[sflag:s12] =	ssyncadd.s32 $0xFFFFD880  }
0x13: {  	[spmem:s6] =	stream.linear.scatter [tilespmem:s11], [sflag:$0x2], $0x2780, $0x38;
	[tilespmem:$0x5800] =	vst v63  }
0x14: {  	_ =	swait.ge [sflag:s12], $0x2780  }
0x15: {  	[sflag:s12] =	ssyncset.done $0x0  }
0x16: {  	[sflag:s12] =	ssyncadd.s32 $0xFFFFD880  }
0x17: {  	s19 =	sadd.s32 $0x0, s10;
	[bflag:$0x0] =	sbarrier.arrive $0xFFFF  }
0x18: {  	[tilespmem:s13], [sflag:$0x2] =	stream.linear.gather [hbm4b:s19+s4], $0x80, $0x38;
	[tilespmem:$0x5800] =	vst v63  }
0x19: {  	_ =	swait.ge [sflag:s12], $0x80  }
0x1a: {  	[sflag:s12] =	ssyncset.done $0x0  }
0x1b: {  	s31 =	sadd.s32 $0x0, s9;
	[sflag:s12] =	ssyncadd.s32 $0xFFFFFF80  }
0x1c: {  	[tilespmem:s4], [sflag:$0x2] =	stream.linear.gather [hbm4b:s31+s4], $0x80, $0x38;
	[tilespmem:$0x5800] =	vst v63  }
0x1d: {  	_ =	swait.ge [sflag:s12], $0x80  }
0x1e: {  	[sflag:s12] =	ssyncset.done $0x0  }
0x1f: {  	[sflag:s12] =	ssyncadd.s32 $0xFFFFFF80  }
0x20: {  	[tilespmem:s14], [sflag:$0x1] =	stream.indirect.gather [hbm4b:s1+s13], $0x10, s4, s13, $0xb8;
	[tilespmem:$0x5800] =	vst v63  }
0x21: {  	_ =	swait.ge [sflag:s15], $0x800  }
0x22: {  	[sflag:s15] =	ssyncset.done $0x0  }
0x23: {  	[sflag:s15] =	ssyncadd.s32 $0xFFFFF800  }
0x24: {  	[spmem:s3] =	stream.indirect.scatter.add.f32 [tilespmem:s14], [sflag:$0x2], $0x10, s13, s13, $0xb8;
	[tilespmem:$0x5800] =	vst v63  }
0x25: {  	_ =	swait.ge [sflag:s12], $0x800  }
0x26: {  	s20 =	simm.s32 $0x20;
	s19 =	simm.s32 $0x10;
	[sflag:s12] =	ssyncset.done $0x0  }
.LBB2_2:
0x27: {  	s21 =	sadd.s32 s19, s10  }
0x28: {  	[sflag:s12] =	ssyncadd.s32 $0xFFFFF800;
	s22 =	smov.u32 s20;
	s23 =	sadd.s32 $0x10, s20  }
0x29: {  	[tilespmem:s13], [sflag:$0x2] =	stream.linear.gather [hbm4b:s21+s4], $0x80, $0x38;
	[tilespmem:$0x5800] =	vst v63  }
0x2a: {  	p0 =	sne.s32 s20, $0x4E0;
	_ =	swait.ge [sflag:s12], $0x80  }
0x2b: {  	[sflag:s12] =	ssyncset.done $0x0  }
0x2c: {  	s20 =	sadd.s32 s19, s9;
	s19 =	smov.u32 s22;
	[sflag:s12] =	ssyncadd.s32 $0xFFFFFF80  }
0x2d: {  	[tilespmem:s4], [sflag:$0x2] =	stream.linear.gather [hbm4b:s20+s4], $0x80, $0x38;
	[tilespmem:$0x5800] =	vst v63  }
0x2e: {  	_ =	swait.ge [sflag:s12], $0x80  }
0x2f: {  	[sflag:s12] =	ssyncset.done $0x0  }
0x30: {  	[sflag:s12] =	ssyncadd.s32 $0xFFFFFF80  }
0x31: {  	[tilespmem:s14], [sflag:$0x1] =	stream.indirect.gather [hbm4b:s1+s13], $0x10, s4, s13, $0xb8;
	[tilespmem:$0x5800] =	vst v63  }
0x32: {  	_ =	swait.ge [sflag:s15], $0x800  }
.Ltmp0:
0x33: {  	[sflag:s15] =	ssyncset.done $0x0;
	(pc) =	sbr.rel @p0 .LBB2_2-.Ltmp0, $4  }
0x34: {  	[sflag:s15] =	ssyncadd.s32 $0xFFFFF800  }
0x35: {  	[spmem:s3] =	stream.indirect.scatter.add.f32 [tilespmem:s14], [sflag:$0x2], $0x10, s13, s13, $0xb8;
	[tilespmem:$0x5800] =	vst v63  }
0x36: {  	_ =	swait.ge [sflag:s12], $0x800  }
0x37: {  	s20 =	smov.u32 s23;
	[sflag:s12] =	ssyncset.done $0x0  }
0x38: {  	s20 =	sadd.s32 s19, s10;
	[sflag:s12] =	ssyncadd.s32 $0xFFFFF800  }
0x39: {  	[tilespmem:s13], [sflag:$0x2] =	stream.linear.gather [hbm4b:s20+s4], $0x80, $0x38;
	[tilespmem:$0x5800] =	vst v63  }
0x3a: {  	_ =	swait.ge [sflag:s12], $0x80  }
0x3b: {  	[sflag:s12] =	ssyncset.done $0x0  }
0x3c: {  	s31 =	sadd.s32 s19, s9;
	[sflag:s12] =	ssyncadd.s32 $0xFFFFFF80  }
0x3d: {  	[tilespmem:s4], [sflag:$0x2] =	stream.linear.gather [hbm4b:s31+s4], $0x80, $0x38;
	[tilespmem:$0x5800] =	vst v63  }
0x3e: {  	_ =	swait.ge [sflag:s12], $0x80  }
0x3f: {  	[sflag:s12] =	ssyncset.done $0x0  }
0x40: {  	[sflag:s12] =	ssyncadd.s32 $0xFFFFFF80  }
0x41: {  	[tilespmem:s14], [sflag:$0x1] =	stream.indirect.gather [hbm4b:s1+s13], $0x10, s4, s13, $0xb8;
	[tilespmem:$0x5800] =	vst v63  }
0x42: {  	_ =	swait.ge [sflag:s15], $0x800  }
0x43: {  	[sflag:s15] =	ssyncset.done $0x0  }
0x44: {  	[sflag:s15] =	ssyncadd.s32 $0xFFFFF800  }
0x45: {  	[spmem:s3] =	stream.indirect.scatter.add.f32 [tilespmem:s14], [sflag:$0x2], $0x10, s13, s13, $0xb8;
	[tilespmem:$0x5800] =	vst v63  }
0x46: {  	_ =	swait.ge [sflag:s12], $0x800  }
0x47: {  	s18 =	sadd.s32 $0x1, s18;
	[sflag:s12] =	ssyncset.done $0x0  }
0x48: {  	p0 =	sne.s32 s18, s8;
	[sflag:s12] =	ssyncadd.s32 $0xFFFFF800  }
.Ltmp1:
0x49: {  	[bflag:$0x0] =	sbarrier.arrive $0xFFFF;
	(pc) =	sbr.rel @p0 .LBB2_1-.Ltmp1, $4  }
0x4a: {  	[hbm:s7], [sflag:s16] =	dma.local [spmem:s17], $0x4F0  }
0x4b: {  	_ =	swait.ge [sflag:s12], $0x4F0  }
0x4c: {  	[sflag:s12] =	ssyncset.done $0x0  }
0x4d: {  	[sflag:s12] =	ssyncadd.s32 $0xFFFFFB10  }
0x4e: {  	_ =	sfence.sel $0x180000  }
0x4f: {  	[bflag:$0x0] =	sbarrier.arrive $0xFFFF  }
0x50: {  	p0 =	sne.s32 s0, $0x0;
	_ =	strace $0x9000004D  }
0x51: {  	s0 =	sadd.s32 @!p0 $0x100000, s2;
	[bflag:$0x2] =	sbarrier.arrive $0xFFFF  }
0x52: {  	[sflag:s0] =	ssyncadd.tile.s32 @!p0 $0x1;
	_ =	shalt  }
.Lfunc_end2:
_tile_overlayer_lowered:
.L_overlay_start_2:
0x53: {  	(tag) =	ssettag $0x2  }
0x54: {  	s0 =	rddreg [dreg:$0x0];
	s2 =	stileid.u32  }
0x55: {  	s1 =	rddreg [dreg:$0x1];
	p0 =	sne.s32 s2, $0x0  }
0x56: {  	s3 =	rddreg [dreg:$0x2];
	[bflag:$0x3] =	sbarrier.arrive $0xFFFF;
	s2 =	simm.s32 @!p0 $0x1C02  }
0x57: {  	[timem:s3], [sflag:s2] =	dma.local @!p0 [hbm:s0], s1  }
0x58: {  	s0 =	simm.s32 @!p0 $0x2  }
0x59: {  	_ =	swait.ge @!p0 [sflag:s0], s1  }
0x5a: {  	s1 =	ssub.s32 @!p0 $0x0, s1;
	[sflag:s0] =	ssyncset.done @!p0 $0x0  }
0x5b: {  	[sflag:s0] =	ssyncadd.s32 @!p0 s1  }
0x5c: {  	[bflag:$0x3] =	sbarrier.arrive $0xFFFF  }
0x5d: {  	_ =	shalt  }

// kernel: kernel.8.cloned.1.call-start
scs
__scs_entry_jumppad:
0x0: {  	(pc) =	sbr.rel $0x88, $3  }
0x1: {  	(tag) =	ssettag $0x0;
	lr =	simm.s32 $0x1  }
0x2: {  	[smem:$0x3F9B] =	sst lr;
	_ =	strace $0xD0000000  }
0x3: {  	_ = 	snop  }
0x4: {  	_ = 	snop  }
0x5: {  	_ = 	snop  }
0x6: {  	_ = 	snop  }
0x7: {  	_ = 	snop  }
__scs_overlays_trampoline_lowered:
0x8: {  	[smem:$0x3FAA] =	sst s0  }
0x9: {  	[smem:$0x3FAB] =	sst s1  }
0xa: {  	[smem:$0x3FAC] =	sst s2  }
0xb: {  	[smem:$0x3FAD] =	sst s3  }
0xc: {  	[smem:$0x3FAE] =	sst s4  }
0xd: {  	[smem:$0x3FAF] =	sst s5  }
0xe: {  	[smem:$0x3FB0] =	sst s6  }
0xf: {  	[smem:$0x3FB1] =	sst s7  }
0x10: {  	[smem:$0x3FB2] =	sst s8  }
0x11: {  	[smem:$0x3FB3] =	sst s9;
	s0 =	simm.s32 @!p0 $0x0  }
0x12: {  	s1 =	sld [smem:$0x3F99];
	s0 =	simm.s32 @p0 $0x1  }
0x13: {  	[smem:$0x3FB4] =	sst s0;
	s0 =	simm.s32 @!p1 $0x0  }
0x14: {  	s2 =	sld [smem:$0x3F98];
	s0 =	simm.s32 @p1 $0x1  }
0x15: {  	[smem:$0x3FB5] =	sst s0;
	s0 =	simm.s32 @!p2 $0x0  }
0x16: {  	s3 =	sld [smem:$0x3FDB];
	s0 =	simm.s32 @p2 $0x1  }
0x17: {  	s4 =	simm.s32 $0x1BF5;
	[smem:$0x3FB7] =	sst s0  }
0x18: {  	s0 =	sld [smem:$0x3F9A];
	_ =	swait.ge [sflag:s4], $0x0  }
0x19: {  	s7 =	sld [smem:$0x3F9B]  }
0x1a: {  	s8 =	sadd.s32 $0xFFFFE003, lr  }
0x1b: {  	s9 =	sadd.s32 $0xFFFFFEF7, lr;
	s5 =	simm.s32 $0xFFFFFFFF;
	p2 =	slt.u32 s8, $0xFFFFF086  }
0x1c: {  	p1 =	slt.u32 s9, $0xF7A;
	s5 =	simm.s32 @!p2 $0x0  }
0x1d: {  	s5 =	simm.s32 @p1 $0x1;
	p0 =	seq.s32 s7, s2  }
0x1e: {  	s7 =	smul.u32 @!p0 $0xF7A, s2;
	p2 =	seq.s32 @!p0 s5, $0x0  }
0x1f: {  	s9 =	smul.u32 $0xF7A, s1;
	s8 =	simm.s32 @!p0 $0x1BF5;
	p2 =	por !p2, p0  }
0x20: {  	[sflag:s8] =	ssyncset.s32 @!p0 $0xFFFFF086;
	s6 =	sadd.s32 @!p0 s3, s7;
	s7 =	simm.s32 @!p0 $0x108  }
0x21: {  	s3 =	sadd.s32 s3, s9;
	s6 =	sadd.s32 @!p0 $0x88, s6;
	s7 =	simm.s32 @p2 $0x1082  }
0x22: {  	[simem:s7], [sflag:s8] =	dma.local @!p0 [hbm:s6], $0xF7A  }
0x23: {  	s9 =	sor.u32 $0xD0000000, s2;
	s6 =	simm.s32 $0x108;
	_ =	swait.ge @!p0 [sflag:s8], $0x0  }
0x24: {  	s3 =	sadd.s32 $0x88, s3;
	s6 =	simm.s32 @!p1 $0x1082;
	[sflag:s4] =	ssyncset.s32 $0xFFFFF086  }
0x25: {  	[simem:s6], [sflag:s4] =	dma.local [hbm:s3], $0xF7A  }
0x26: {  	[smem:$0x3F9B] =	sst s1;
	(tag) =	ssettag s2;
	_ =	strace s9  }
0x27: {  	s1 =	sld [smem:$0x3FAB]  }
0x28: {  	s2 =	sld [smem:$0x3FAC]  }
0x29: {  	s4 =	sld [smem:$0x3FAE]  }
0x2a: {  	p0 =	seq.s32 s5, $0x0;
	s5 =	sld [smem:$0x3FAF]  }
0x2b: {  	s6 =	sld [smem:$0x3FB0]  }
0x2c: {  	s7 =	sld [smem:$0x3FB1]  }
0x2d: {  	s3 =	simm.s32 $0x108;
	s8 =	sld [smem:$0x3FB2]  }
0x2e: {  	s3 =	simm.s32 @!p0 $0x1082;
	s9 =	sld [smem:$0x3FB3]  }
0x2f: {  	lr =	sadd.s32 s0, s3;
	s0 =	sld [smem:$0x3FAA]  }
0x30: {  	s3 =	sld [smem:$0x3FAD]  }
0x31: {  	[smem:$0x3FB6] =	sst s10  }
0x32: {  	s10 =	sld [smem:$0x3FB4];
	_ =	sdelay $0x3  }
0x33: {  	p0 =	seq.s32 s10, $0x1;
	s10 =	sld [smem:$0x3FB6];
	_ =	sdelay $0x3  }
0x34: {  	[smem:$0x3FB6] =	sst s10  }
0x35: {  	s10 =	sld [smem:$0x3FB5];
	_ =	sdelay $0x3  }
0x36: {  	p1 =	seq.s32 s10, $0x1;
	s10 =	sld [smem:$0x3FB6];
	_ =	sdelay $0x3  }
0x37: {  	[smem:$0x3FB6] =	sst s10  }
0x38: {  	s10 =	sld [smem:$0x3FB7]  }
0x39: {  	_ = 	snop;
	(pc) =	sbr.ind lr, $3  }
0x3a: {  	_ = 	snop  }
0x3b: {  	_ = 	snop  }
0x3c: {  	p2 =	seq.s32 s10, $0x1;
	s10 =	sld [smem:$0x3FB6]  }
0x3d: {  	_ =	shalt  }
0x3e: {  	_ =	shalt  }
0x3f: {  	_ =	shalt  }
0x40: {  	_ =	shalt  }
0x41: {  	_ =	shalt  }
0x42: {  	_ =	shalt  }
0x43: {  	_ =	shalt  }
0x44: {  	_ =	shalt  }
0x45: {  	_ =	shalt  }
0x46: {  	_ =	shalt  }
0x47: {  	_ =	shalt  }
0x48: {  	_ =	shalt  }
0x49: {  	_ =	shalt  }
0x4a: {  	_ =	shalt  }
0x4b: {  	_ =	shalt  }
0x4c: {  	_ =	shalt  }
0x4d: {  	_ =	shalt  }
0x4e: {  	_ =	shalt  }
0x4f: {  	_ =	shalt  }
0x50: {  	_ =	shalt  }
0x51: {  	_ =	shalt  }
0x52: {  	_ =	shalt  }
0x53: {  	_ =	shalt  }
0x54: {  	_ =	shalt  }
0x55: {  	_ =	shalt  }
0x56: {  	_ =	shalt  }
0x57: {  	_ =	shalt  }
0x58: {  	_ =	shalt  }
0x59: {  	_ =	shalt  }
0x5a: {  	_ =	shalt  }
0x5b: {  	_ =	shalt  }
0x5c: {  	_ =	shalt  }
0x5d: {  	_ =	shalt  }
0x5e: {  	_ =	shalt  }
0x5f: {  	_ =	shalt  }
0x60: {  	_ =	shalt  }
0x61: {  	_ =	shalt  }
0x62: {  	_ =	shalt  }
0x63: {  	_ =	shalt  }
0x64: {  	_ =	shalt  }
0x65: {  	_ =	shalt  }
0x66: {  	_ =	shalt  }
0x67: {  	_ =	shalt  }
0x68: {  	_ =	shalt  }
0x69: {  	_ =	shalt  }
0x6a: {  	_ =	shalt  }
0x6b: {  	_ =	shalt  }
0x6c: {  	_ =	shalt  }
0x6d: {  	_ =	shalt  }
0x6e: {  	_ =	shalt  }
0x6f: {  	_ =	shalt  }
0x70: {  	_ =	shalt  }
0x71: {  	_ =	shalt  }
0x72: {  	_ =	shalt  }
0x73: {  	_ =	shalt  }
0x74: {  	_ =	shalt  }
0x75: {  	_ =	shalt  }
0x76: {  	_ =	shalt  }
0x77: {  	_ =	shalt  }
0x78: {  	_ =	shalt  }
0x79: {  	_ =	shalt  }
0x7a: {  	_ =	shalt  }
0x7b: {  	_ =	shalt  }
0x7c: {  	_ =	shalt  }
0x7d: {  	_ =	shalt  }
0x7e: {  	_ =	shalt  }
0x7f: {  	_ =	shalt  }
0x80: {  	_ =	shalt  }
0x81: {  	_ =	shalt  }
0x82: {  	_ =	shalt  }
0x83: {  	_ =	shalt  }
0x84: {  	_ =	shalt  }
0x85: {  	_ =	shalt  }
0x86: {  	_ =	shalt  }
0x87: {  	_ =	shalt  }
.Lfunc_end0:
.L_simem_size_0:
called_computation_lowered:
.L_overlay_start_0:
0x88: {  	s2 =	sld [smem:$0x3FD9]  }
0x89: {  	s3 =	sld [smem:$0x3FFE];
	_ =	sdelay $0x1  }
0x8a: {  	s1 =	srdreg.scid  }
0x8b: {  	s0 =	sand.u32 $0x1, s1  }
0x8c: {  	s17 =	sshll.u32 s0, $0xA;
	s2 =	sadd.s32 s3, s2  }
0x8d: {  	s2 =	sadd.s32 s2, s17  }
0x8e: {  	[smem:$0x3FC2] =	sst s2  }
0x8f: {  	_ = 	snop  }
0x90: {  	s2 =	sld [smem:$0x3FD0];
	(tm) =	ssettm $0x1  }
0x91: {  	s18 =	sld [smem:$0x3FFB];
	_ =	sdelay $0x3  }
0x92: {  	_ =	strace s18  }
0x93: {  	s3 =	sld [smem:$0x3FFC];
	_ =	sdelay $0x3  }
0x94: {  	_ =	strace s3  }
0x95: {  	s3 =	sld [smem:$0x3FFD];
	_ =	sdelay $0x3  }
0x96: {  	_ =	strace s3  }
0x97: {  	_ =	strace $0x8FFFFFFF  }
0x98: {  	s19 =	sld [smem:$0x3FDB];
	_ =	sdelay $0x1  }
0x99: {  	s4 =	simm.s32 $_scs_section_size  }
0x9a: {  	s5 =	simm.s32 $_size__tile_overlayer_lowered;
	s6 =	simm.s32 $_tile_overlayer_lowered  }
0x9b: {  	s22 =	simm.s32 $0x1BFF;
	s21 =	sshll.u32 s6, $0x1;
	s3 =	sadd.s32 s4, s19  }
0x9c: {  	s7 =	simm.s32 $0x0;
	s20 =	sshll.u32 s5, $0x1;
	s5 =	sadd.s32 s21, s3  }
0x9d: {  	[timem:s7], [sflag:s22] =	dma.local [hbm:s5], s20  }
0x9e: {  	_ =	swait.ge [sflag:s22], s20  }
0x9f: {  	s4 =	ssub.s32 $0x0, s20;
	[sflag:s22] =	ssyncset.done $0x0  }
0xa0: {  	[sflag:s22] =	ssyncadd.s32 s4;
	_ =	sdelay $0x1  }
0xa1: {  	s23 =	simm.s32 $0x1B8B  }
0xa2: {  	_ =	swait.ge [sflag:s23], $0x1  }
0xa3: {  	[sflag:s23] =	ssyncset.done $0x0  }
0xa4: {  	s25 =	simm.s32 $0x1B8E;
	s24 =	sld [smem:$0x3FFE];
	[sflag:s23] =	ssyncadd.s32 $0xFFFFFFFF  }
0xa5: {  	s26 =	simm.s32 $execute0_lowered;
	[smem:$0x3FD2] =	sst s25  }
0xa6: {  	s5 =	sshll.u32 s26, $0x1;
	_ =	strace $0x80000046;
	[dreg:$0x1] =	wrdreg $0xFFFFFFFF  }
0xa7: {  	s28 =	simm.s32 $_size_execute0_lowered;
	s3 =	sadd.s32 s3, s5;
	[dreg:$0x0] =	wrdreg $0x0  }
0xa8: {  	s5 =	sshll.u32 s28, $0x1;
	[dreg:$0x2] =	wrdreg s3  }
0xa9: {  	[dreg:$0x3] =	wrdreg s5  }
0xaa: {  	[dreg:$0x4] =	wrdreg $0xC0  }
0xab: {  	_ =	task [dreg:s7], $0x5FFFF  }
0xac: {  	[dreg:$0x1] =	wrdreg $0xFFFFFFFF  }
0xad: {  	[dreg:$0x0] =	wrdreg $0x60  }
0xae: {  	[dreg:$0x2] =	wrdreg s2  }
0xaf: {  	[dreg:$0x3] =	wrdreg s24  }
0xb0: {  	[dreg:$0x4] =	wrdreg $0x30000  }
0xb1: {  	[dreg:$0x5] =	wrdreg $0x9  }
0xb2: {  	_ =	task.clear_ibuf [dreg:s7], $0x6FFFF;
	_ =	strace $0x90000046  }
0xb3: {  	s29 =	simm.s32 $0x9;
	_ =	strace $0x80000048  }
0xb4: {  	_ =	swait.ge [sflag:s29], $0x1  }
0xb5: {  	[sflag:s29] =	ssyncadd.s32 $0xFFFFFFFF  }
0xb6: {  	_ =	strace $0x90000048  }
0xb7: {  	_ =	sfence  }
0xb8: {  	s30 =	sld [smem:$0x0];
	_ =	sdelay $0x2  }
0xb9: {  	s31 =	sshll.u32 s1, $0xD;
	s1 =	sshrl.u32 s1, $0x2  }
0xba: {  	s3 =	sand.u32 $0x4000, s31;
	s1 =	sadd.s32 s1, s30  }
0xbb: {  	s0 =	sor.u32 s3, s0;
	s1 =	sshll.u32 s1, $0x11  }
0xbc: {  	s0 =	sor.u32 s1, s0  }
0xbd: {  	s0 =	sadd.s32 $0x8F2B, s0  }
0xbe: {  	[sflag:s0] =	ssyncadd.remote.s32 $0x1  }
0xbf: {  	_ =	sfence.sel $0xFFFF  }
0xc0: {  	[dreg:$0x0] =	wrdreg $0xFFFFFFFF;
	(pc) =	sbr.abs _section_cstart, $3  }
0xc1: {  	[dreg:$0x1] =	wrdreg $0xFFFFFFFF  }
0xc2: {  	_ =	task.clear_ibuf [dreg:s7], $0x2FFFF;
	_ =	strace $0x9FFFFFFF  }
0xc3: {  	(tm) =	ssettm $0x7FFFFFFF  }
tec
execute0_lowered:
.L_overlay_start_1:
0x0: {  	(tag) =	ssettag $0x1  }
0x1: {  	s1 =	rddreg [dreg:$0x0]  }
0x2: {  	s2 =	srdreg.scid;
	s7 =	rddreg [dreg:$0x1]  }
0x3: {  	s0 =	stileid.u32;
	s3 =	rddreg [dreg:$0x2]  }
0x4: {  	s4 =	simm.s32 $0x0;
	s11 =	simm.s32 $0x1;
	s6 =	smul.u32 $0x4F00, s0  }
0x5: {  	s12 =	simm.s32 $0x80;
	s5 =	sand.u32 $0x1, s2;
	s9 =	smul.u32 $0x2780, s0  }
0x6: {  	s15 =	simm.s32 $0x0;
	s2 =	rddreg [dreg:$0x3];
	s8 =	smul.u32 $0x2780, s5  }
0x7: {  	[smem:$0x7FF] =	sst s4;
	s13 =	sshll.u32 s0, $0x6;
	s10 =	smul.u32 $0x27800, s5  }
0x8: {  	_ =	strace $0x80000047;
	s30 =	ssub.s32 $0x2, s5;
	s5 =	sadd.s32 $0xB800, s7  }
0x9: {  	s13 =	sor.u32 $0x1C01, s13;
	s31 =	sshrl.u32 s30, $0x1;
	s6 =	sadd.s32 s8, s6  }
0xa: {  	s26 =	sadd.s32 s9, s10;
	s8 =	ssub.s32 s30, s31;
	s10 =	simm.s32 $0x880  }
0xb: {  	s6 =	sshrl.u32 s6, $0x3;
	s29 =	sshrl.u32 s26, $0x3;
	s8 =	smax.u32 s8, $0x1  }
0xc: {  	s28 =	sadd.s32 s6, s7;
	s7 =	sadd.s32 s29, s7;
	s6 =	sadd.s32 s9, s3  }
0xd: {  	s7 =	sadd.s32 $0xBE00, s7;
	s9 =	sadd.s32 $0x1A00, s28;
	s14 =	sshrl.u32 s6, $0x3  }
.LBB2_1:
0xe: {  	[tilespmem:s10], [sflag:$0x1] =	stream.linear.gather [hbm4b:s5+s4], $0x2780, $0x38;
	[tilespmem:$0x5780] =	vst v63  }
0xf: {  	_ =	swait.ge [sflag:s11], $0x2780  }
0x10: {  	[sflag:s11] =	ssyncset.done $0x0  }
0x11: {  	[sflag:s11] =	ssyncadd.s32 $0xFFFFD880  }
0x12: {  	[spmem:s6] =	stream.linear.scatter [tilespmem:s10], [sflag:$0x1], $0x2780, $0x38;
	[tilespmem:$0x5780] =	vst v63  }
0x13: {  	_ =	swait.ge [sflag:s11], $0x2780  }
0x14: {  	[sflag:s11] =	ssyncset.done $0x0  }
0x15: {  	[sflag:s11] =	ssyncadd.s32 $0xFFFFD880  }
0x16: {  	[tilespmem:s12], [sflag:$0x1] =	stream.linear.gather [hbm4b:s1+s4], $0x800, $0x38;
	[tilespmem:$0x5780] =	vst v63  }
0x17: {  	_ =	swait.ge [sflag:s11], $0x800  }
0x18: {  	[sflag:s11] =	ssyncset.done $0x0  }
0x19: {  	[sflag:s11] =	ssyncadd.s32 $0xFFFFF800  }
0x1a: {  	s16 =	sadd.s32 $0x0, s9;
	[bflag:$0x0] =	sbarrier.arrive $0xFFFF  }
0x1b: {  	[tilespmem:s4], [sflag:$0x1] =	stream.linear.gather [hbm4b:s16+s4], $0x80, $0x38;
	[tilespmem:$0x5780] =	vst v63  }
0x1c: {  	_ =	swait.ge [sflag:s11], $0x80  }
0x1d: {  	[sflag:s11] =	ssyncset.done $0x0  }
0x1e: {  	[sflag:s11] =	ssyncadd.s32 $0xFFFFFF80  }
0x1f: {  	[spmem:s3] =	stream.indirect.scatter.add.f32 [tilespmem:s12], [sflag:$0x1], $0x10, s4, s12, $0xb8;
	[tilespmem:$0x5780] =	vst v63  }
0x20: {  	_ =	swait.ge [sflag:s11], $0x800  }
0x21: {  	s17 =	simm.s32 $0x20;
	s16 =	simm.s32 $0x10;
	[sflag:s11] =	ssyncset.done $0x0  }
.LBB2_2:
0x22: {  	s18 =	sadd.s32 s16, s9  }
0x23: {  	[sflag:s11] =	ssyncadd.s32 $0xFFFFF800;
	s16 =	smov.u32 s17;
	s19 =	sadd.s32 $0x10, s17  }
0x24: {  	[tilespmem:s4], [sflag:$0x1] =	stream.linear.gather [hbm4b:s18+s4], $0x80, $0x38;
	[tilespmem:$0x5780] =	vst v63  }
0x25: {  	p0 =	sne.s32 s17, $0x4E0;
	_ =	swait.ge [sflag:s11], $0x80  }
.Ltmp0:
0x26: {  	[sflag:s11] =	ssyncset.done $0x0;
	(pc) =	sbr.rel @p0 .LBB2_2-.Ltmp0, $4  }
0x27: {  	[sflag:s11] =	ssyncadd.s32 $0xFFFFFF80  }
0x28: {  	[spmem:s3] =	stream.indirect.scatter.add.f32 [tilespmem:s12], [sflag:$0x1], $0x10, s4, s12, $0xb8;
	[tilespmem:$0x5780] =	vst v63  }
0x29: {  	_ =	swait.ge [sflag:s11], $0x800  }
0x2a: {  	s17 =	smov.u32 s19;
	[sflag:s11] =	ssyncset.done $0x0  }
0x2b: {  	s16 =	sadd.s32 s16, s9;
	[sflag:s11] =	ssyncadd.s32 $0xFFFFF800  }
0x2c: {  	[tilespmem:s4], [sflag:$0x1] =	stream.linear.gather [hbm4b:s16+s4], $0x80, $0x38;
	[tilespmem:$0x5780] =	vst v63  }
0x2d: {  	_ =	swait.ge [sflag:s11], $0x80  }
0x2e: {  	[sflag:s11] =	ssyncset.done $0x0  }
0x2f: {  	[sflag:s11] =	ssyncadd.s32 $0xFFFFFF80  }
0x30: {  	[spmem:s3] =	stream.indirect.scatter.add.f32 [tilespmem:s12], [sflag:$0x1], $0x10, s4, s12, $0xb8;
	[tilespmem:$0x5780] =	vst v63  }
0x31: {  	_ =	swait.ge [sflag:s11], $0x800  }
0x32: {  	s15 =	sadd.s32 $0x1, s15;
	[sflag:s11] =	ssyncset.done $0x0  }
0x33: {  	p0 =	sne.s32 s15, s8;
	[sflag:s11] =	ssyncadd.s32 $0xFFFFF800  }
.Ltmp1:
0x34: {  	[bflag:$0x0] =	sbarrier.arrive $0xFFFF;
	(pc) =	sbr.rel @p0 .LBB2_1-.Ltmp1, $4  }
0x35: {  	[hbm:s7], [sflag:s13] =	dma.local [spmem:s14], $0x4F0  }
0x36: {  	_ =	swait.ge [sflag:s11], $0x4F0  }
0x37: {  	[sflag:s11] =	ssyncset.done $0x0  }
0x38: {  	[sflag:s11] =	ssyncadd.s32 $0xFFFFFB10  }
0x39: {  	_ =	sfence.sel $0x180000  }
0x3a: {  	[bflag:$0x0] =	sbarrier.arrive $0xFFFF  }
0x3b: {  	p0 =	sne.s32 s0, $0x0;
	_ =	strace $0x90000047  }
0x3c: {  	s0 =	sadd.s32 @!p0 $0x100000, s2;
	[bflag:$0x2] =	sbarrier.arrive $0xFFFF  }
0x3d: {  	[sflag:s0] =	ssyncadd.tile.s32 @!p0 $0x1;
	_ =	shalt  }
.Lfunc_end2:
_tile_overlayer_lowered:
.L_overlay_start_2:
0x3e: {  	(tag) =	ssettag $0x2  }
0x3f: {  	s0 =	rddreg [dreg:$0x0];
	s2 =	stileid.u32  }
0x40: {  	s1 =	rddreg [dreg:$0x1];
	p0 =	sne.s32 s2, $0x0  }
0x41: {  	s3 =	rddreg [dreg:$0x2];
	[bflag:$0x3] =	sbarrier.arrive $0xFFFF;
	s2 =	simm.s32 @!p0 $0x1C01  }
0x42: {  	[timem:s3], [sflag:s2] =	dma.local @!p0 [hbm:s0], s1  }
0x43: {  	s0 =	simm.s32 @!p0 $0x1  }
0x44: {  	_ =	swait.ge @!p0 [sflag:s0], s1  }
0x45: {  	s1 =	ssub.s32 @!p0 $0x0, s1;
	[sflag:s0] =	ssyncset.done @!p0 $0x0  }
0x46: {  	[sflag:s0] =	ssyncadd.s32 @!p0 s1  }
0x47: {  	[bflag:$0x3] =	sbarrier.arrive $0xFFFF  }
0x48: {  	_ =	shalt  }

</sc_bundles>
